<compile_context>
chip_gen: v7x
topology: tpu7x:2x2x1
jax: 0.10.2.dev20260603
libtpu: 0.0.44.dev20260713+nightly
codegen_flags: <defaults>
</compile_context>

<pallas_src>
import functools

import jax
import jax.numpy as jnp
from jax import lax
from jax.experimental import pallas as pl
from jax.experimental.pallas import tpu as pltpu
from jax.experimental.pallas import tpu_sc as plsc

NODE_DIM = 128
N_NODES = 10000
N_EDGES = 320000

NSUB = 16
EPT = N_EDGES // NSUB
VPT = EPT // 16
NP = 10240
CHUNK = NP // NSUB


def _proj_body(w_ref, b_ref, x_ref, o_ref):
    wc = jnp.concatenate(
        [w_ref[0:1, :NODE_DIM], w_ref[0:1, NODE_DIM:],
         w_ref[1:2, :NODE_DIM], w_ref[1:2, NODE_DIM:]], axis=0)
    proj = lax.dot_general(
        wc, x_ref[...], (((1,), (1,)), ((), ())),
        preferred_element_type=jnp.float32,
    )
    zero1 = jnp.zeros((1, 1), jnp.float32)
    bias = jnp.concatenate(
        [b_ref[0:1, 0:1], zero1, b_ref[0:1, 1:2], zero1], axis=0)
    o_ref[...] = proj + bias


def _projection(x, W, b):
    return pl.pallas_call(
        _proj_body,
        out_shape=jax.ShapeDtypeStruct((4, N_NODES), jnp.float32),
    )(W, b.reshape(1, 2), x)


def _sc_body(tab_hbm, eidx_hbm,
             v0_hbm, v1_hbm,
             tab_v, row_v, col_v, ex_v, den_v,
             part_sh, inv_sh,
             sem0, sem1, sem2):
    cid = lax.axis_index("c")
    sid = lax.axis_index("s")
    base = sid * EPT
    off_a = cid * (2 * N_NODES)

    d0 = pltpu.async_copy(tab_hbm.at[pl.ds(off_a, 2 * N_NODES)], tab_v, sem0)
    d1 = pltpu.async_copy(eidx_hbm.at[pl.ds(base, EPT)], row_v, sem1)
    d2 = pltpu.async_copy(eidx_hbm.at[pl.ds(N_EDGES + base, EPT)], col_v, sem2)

    zeros = jnp.zeros((16,), jnp.float32)

    @plsc.parallel_loop(0, NP // 16, unroll=8)
    def _zero(i):
        den_v[pl.ds(i * 16, 16)] = zeros

    d0.wait()
    d1.wait()
    d2.wait()

    @plsc.parallel_loop(0, VPT, unroll=8)
    def _stepa(i):
        sl = pl.ds(i * 16, 16)
        r = row_v[sl]
        cl = col_v[sl]
        a = plsc.load_gather(tab_v, [r])
        c = plsc.load_gather(tab_v, [cl + N_NODES])
        s = jnp.minimum(jnp.maximum(a + c, 0.0), 80.0)
        e = jnp.exp(s)
        ex_v[sl] = e
        plsc.addupdate_scatter(den_v, [r], e)

    pltpu.sync_copy(den_v, part_sh.at[pl.ds(sid * NP, NP)])
    plsc.subcore_barrier()

    cb = sid * CHUNK

    descs = [
        pltpu.async_copy(part_sh.at[pl.ds(j * NP + cb, CHUNK)],
                         tab_v.at[pl.ds(j * CHUNK, CHUNK)], sem0)
        for j in range(NSUB)
    ]
    for d in descs:
        d.wait()

    eps = jnp.float32(1e-16)

    @plsc.parallel_loop(0, CHUNK // 16, unroll=4)
    def _reduce(i):
        acc = tab_v[pl.ds(i * 16, 16)]

        def _acc(j, a_):
            return a_ + tab_v[pl.ds(j * CHUNK + i * 16, 16)]

        acc = lax.fori_loop(1, NSUB, _acc, acc)
        den_v[pl.ds(i * 16, 16)] = 1.0 / (acc + eps)

    pltpu.sync_copy(den_v.at[pl.ds(0, CHUNK)], inv_sh.at[pl.ds(cb, CHUNK)])
    plsc.subcore_barrier()
    pltpu.sync_copy(inv_sh, den_v)

    @plsc.parallel_loop(0, VPT, unroll=8)
    def _stepb(i):
        sl = pl.ds(i * 16, 16)
        inv = plsc.load_gather(den_v, [row_v[sl]])
        ex_v[sl] = ex_v[sl] * inv

    @pl.when(cid == 0)
    def _():
        pltpu.sync_copy(ex_v, v0_hbm.at[pl.ds(base, EPT)])

    @pl.when(cid == 1)
    def _():
        pltpu.sync_copy(ex_v, v1_hbm.at[pl.ds(base, EPT)])


@functools.partial(
    pl.kernel,
    out_type=(
        jax.ShapeDtypeStruct((N_EDGES,), jnp.float32),
        jax.ShapeDtypeStruct((N_EDGES,), jnp.float32),
    ),
    mesh=plsc.VectorSubcoreMesh(core_axis_name="c", subcore_axis_name="s"),
    scratch_types=[
        pltpu.VMEM((2 * N_NODES,), jnp.float32),
        pltpu.VMEM((EPT,), jnp.int32),
        pltpu.VMEM((EPT,), jnp.int32),
        pltpu.VMEM((EPT,), jnp.float32),
        pltpu.VMEM((NP,), jnp.float32),
        pltpu.VMEM_SHARED((NSUB * NP,), jnp.float32),
        pltpu.VMEM_SHARED((NP,), jnp.float32),
        pltpu.SemaphoreType.DMA,
        pltpu.SemaphoreType.DMA,
        pltpu.SemaphoreType.DMA,
    ],
    compiler_params=pltpu.CompilerParams(needs_layout_passes=False),
)
def _sc_fused(*refs):
    _sc_body(*refs)


def _combine_body(v0_ref, v1_ref, amt_ref, o_ref):
    o_ref[...] = jnp.where(amt_ref[...] != 0, v0_ref[...] + v1_ref[...], 0.0)


def _combine(v0, v1, amt):
    return pl.pallas_call(
        _combine_body,
        out_shape=jax.ShapeDtypeStruct((N_EDGES,), jnp.float32),
    )(v0, v1, amt)


def kernel(x, W, b, edge_index, actual_amount):
    eidx = edge_index.astype(jnp.int32).reshape(2 * N_EDGES)
    amt = actual_amount.astype(jnp.int32)

    tab = _projection(x, W, b).reshape(-1)

    v0, v1 = _sc_fused(tab, eidx)
    return _combine(v0, v1, amt)

# --- scband reference (transcript-rebuilt; emitter-appended) ---
"""Pipeline reference for scband-dest-selection-policy-61512521613575 (READ-ONLY COPY).

The authoritative reference and input builder live on the scoring server;
editing this copy changes nothing except your own understanding.
"""

import jax, jax.numpy as jnp
import numpy as np

NODE_DIM = 128
N_NODES = 10000
N_EDGES = 320000

def setup_inputs(seed: int = 0) -> dict:
    key = jax.random.key(seed)
    k1, k2, k3, k4, k5 = jax.random.split(key, 5)
    x = jax.random.normal(k1, (N_NODES, NODE_DIM), dtype=jnp.float32)
    edge_index = jax.random.randint(k2, (2, N_EDGES), 0, N_NODES, dtype=jnp.int64)
    actual_amount = jax.random.randint(k3, (N_EDGES,), 0, 5, dtype=jnp.int64)
    # Linear(node_dim*2 -> 2) params, kaiming-uniform-ish init like torch default
    fan_in = NODE_DIM * 2
    bound = 1.0 / np.sqrt(fan_in)
    W = jax.random.uniform(k4, (2, NODE_DIM * 2), minval=-bound, maxval=bound, dtype=jnp.float32)
    b = jax.random.uniform(k5, (2,), minval=-bound, maxval=bound, dtype=jnp.float32)
    return {"x": x, "W": W, "b": b, "edge_index": edge_index, "actual_amount": actual_amount}

def _segment_softmax(src, index, num_segments):
    # torch_geometric.utils.softmax over groups defined by index (dim 0)
    seg_max = jax.ops.segment_max(src, index, num_segments=num_segments)
    seg_max = jnp.where(jnp.isfinite(seg_max), seg_max, 0.0)
    shifted = src - seg_max[index]
    ex = jnp.exp(shifted)
    denom = jax.ops.segment_sum(ex, index, num_segments=num_segments)
    return ex / (denom[index] + 1e-16)

def reference(x, W, b, edge_index, actual_amount):
    row = edge_index[0]
    col = edge_index[1]
    feat = jnp.concatenate((x[row], x[col]), axis=1)  # [E, 2*d]
    att_edge = jax.nn.relu(feat @ W.T + b)  # Linear + ReLU -> [E, 2]
    att_sm = _segment_softmax(att_edge, row, x.shape[0])  # [E, 2]
    mask = (actual_amount == 0)
    att_sm = jnp.where(mask[:, None], 0.0, att_sm)
    att = jnp.sum(att_sm, axis=1)  # [E]
    return att

if __name__ == "__main__":
    import jax
    _d = setup_inputs()
    print(jax.jit(kernel)(*tuple(_d.values())))

</pallas_src>

<mosaic_0001>
#map = affine_map<(d0, d1) -> (0)>
module attributes {stable_mosaic.version = 14 : i64} {
  func.func @_sc_fused(%arg0: i32, %arg1: i32, %arg2: memref<40000xf32, #tpu.memory_space<hbm>>, %arg3: memref<640000xi32, #tpu.memory_space<hbm>>, %arg4: memref<320000xf32, #tpu.memory_space<hbm>>, %arg5: memref<320000xf32, #tpu.memory_space<hbm>>, %arg6: memref<20000xf32, #tpu.memory_space<vmem>>, %arg7: memref<20000xi32, #tpu.memory_space<vmem>>, %arg8: memref<20000xi32, #tpu.memory_space<vmem>>, %arg9: memref<20000xf32, #tpu.memory_space<vmem>>, %arg10: memref<10240xf32, #tpu.memory_space<vmem>>, %arg11: memref<163840xf32, #tpu.memory_space<vmem_shared>>, %arg12: memref<10240xf32, #tpu.memory_space<vmem_shared>>, %arg13: memref<!tpu.dma_semaphore, #tpu.memory_space<semaphore_mem>>, %arg14: memref<!tpu.dma_semaphore, #tpu.memory_space<semaphore_mem>>, %arg15: memref<!tpu.dma_semaphore, #tpu.memory_space<semaphore_mem>>) attributes {dimension_semantics = [#tpu.dimension_semantics<core_parallel>, #tpu.dimension_semantics<subcore_parallel>], iteration_bounds = array<i64: 2, 16>, scalar_prefetch = 0 : i64, scratch_operands = 10 : i64, tpu.core_type = #tpu.core_type<sc_vector_subcore>, window_params = [{transform_indices = #map}, {transform_indices = #map}, {transform_indices = #map}, {transform_indices = #map}]} {
    %mul3A = arith.constant 20000 : i32
    %mul3A_0 = arith.muli %arg1, %mul3A : i32
    %mul3A_1 = arith.constant 20000 : i32
    %mul3A_2 = arith.muli %arg0, %mul3A_1 : i32
    %dma_start3A = tpu.memref_slice %arg2[%mul3A_2] : memref<40000xf32, #tpu.memory_space<hbm>> -> memref<20000xf32, #tpu.memory_space<hbm>>
    %dma_start3A_3 = tpu.memref_slice %arg2[%mul3A_2] : memref<40000xf32, #tpu.memory_space<hbm>> -> memref<20000xf32, #tpu.memory_space<hbm>>
    tpu.enqueue_dma source(%dma_start3A_3 : memref<20000xf32, #tpu.memory_space<hbm>>) target(%arg6 : memref<20000xf32, #tpu.memory_space<vmem>>) target_semaphore(%arg13 : memref<!tpu.dma_semaphore, #tpu.memory_space<semaphore_mem>>)
    %dma_start3A_4 = tpu.memref_slice %arg3[%mul3A_0] : memref<640000xi32, #tpu.memory_space<hbm>> -> memref<20000xi32, #tpu.memory_space<hbm>>
    %dma_start3A_5 = tpu.memref_slice %arg3[%mul3A_0] : memref<640000xi32, #tpu.memory_space<hbm>> -> memref<20000xi32, #tpu.memory_space<hbm>>
    tpu.enqueue_dma source(%dma_start3A_5 : memref<20000xi32, #tpu.memory_space<hbm>>) target(%arg7 : memref<20000xi32, #tpu.memory_space<vmem>>) target_semaphore(%arg14 : memref<!tpu.dma_semaphore, #tpu.memory_space<semaphore_mem>>)
    %add3A = arith.constant 320000 : i32
    %add3A_6 = arith.addi %add3A, %mul3A_0 : i32
    %dma_start3A_7 = tpu.memref_slice %arg3[%add3A_6] : memref<640000xi32, #tpu.memory_space<hbm>> -> memref<20000xi32, #tpu.memory_space<hbm>>
    %dma_start3A_8 = tpu.memref_slice %arg3[%add3A_6] : memref<640000xi32, #tpu.memory_space<hbm>> -> memref<20000xi32, #tpu.memory_space<hbm>>
    tpu.enqueue_dma source(%dma_start3A_8 : memref<20000xi32, #tpu.memory_space<hbm>>) target(%arg8 : memref<20000xi32, #tpu.memory_space<vmem>>) target_semaphore(%arg15 : memref<!tpu.dma_semaphore, #tpu.memory_space<semaphore_mem>>)
    %broadcast_in_dim3A = arith.constant 0.000000e+00 : f32
    %broadcast_in_dim3A_9 = vector.broadcast %broadcast_in_dim3A : f32 to vector<16xf32>
    %parallel_loop3A = arith.constant 0 : i32
    %parallel_loop3A_10 = arith.constant 640 : i32
    %parallel_loop3A_11 = arith.constant 1 : i32
    scf.for %parallel_loop3A_263 = %parallel_loop3A to %parallel_loop3A_10 step %parallel_loop3A_11  : i32 {
      %parallel_loop3A_264 = arith.constant 16 : i32
      %parallel_loop3A_265 = arith.muli %parallel_loop3A_263, %parallel_loop3A_264 : i32
      %parallel_loop3A_266 = arith.index_cast %parallel_loop3A_265 : i32 to index
      %parallel_loop3A_267 = tpu.vector_load %arg10[%parallel_loop3A_266] {strides = array<i32>} : memref<10240xf32, #tpu.memory_space<vmem>>, vector<16xf32>,
      tpu.vector_store %arg10[%parallel_loop3A_266], %broadcast_in_dim3A_9 {strides = array<i32>} : memref<10240xf32, #tpu.memory_space<vmem>>, vector<16xf32>,
    } {sc.loop_unroll_factor = 8 : i64, sc.parallel_access}
    %dma_wait3A = tpu.memref_slice %arg2[%mul3A_2] : memref<40000xf32, #tpu.memory_space<hbm>> -> memref<20000xf32, #tpu.memory_space<hbm>>
    %dma_wait3A_12 = tpu.memref_slice %arg2[%mul3A_2] : memref<40000xf32, #tpu.memory_space<hbm>> -> memref<20000xf32, #tpu.memory_space<hbm>>
    tpu.wait_dma2 semaphore(%arg13 : memref<!tpu.dma_semaphore, #tpu.memory_space<semaphore_mem>>) src(%dma_wait3A_12 : memref<20000xf32, #tpu.memory_space<hbm>>) dst(%arg6 : memref<20000xf32, #tpu.memory_space<vmem>>)
    %dma_wait3A_13 = tpu.memref_slice %arg3[%mul3A_0] : memref<640000xi32, #tpu.memory_space<hbm>> -> memref<20000xi32, #tpu.memory_space<hbm>>
    %dma_wait3A_14 = tpu.memref_slice %arg3[%mul3A_0] : memref<640000xi32, #tpu.memory_space<hbm>> -> memref<20000xi32, #tpu.memory_space<hbm>>
    tpu.wait_dma2 semaphore(%arg14 : memref<!tpu.dma_semaphore, #tpu.memory_space<semaphore_mem>>) src(%dma_wait3A_14 : memref<20000xi32, #tpu.memory_space<hbm>>) dst(%arg7 : memref<20000xi32, #tpu.memory_space<vmem>>)
    %dma_wait3A_15 = tpu.memref_slice %arg3[%add3A_6] : memref<640000xi32, #tpu.memory_space<hbm>> -> memref<20000xi32, #tpu.memory_space<hbm>>
    %dma_wait3A_16 = tpu.memref_slice %arg3[%add3A_6] : memref<640000xi32, #tpu.memory_space<hbm>> -> memref<20000xi32, #tpu.memory_space<hbm>>
    tpu.wait_dma2 semaphore(%arg15 : memref<!tpu.dma_semaphore, #tpu.memory_space<semaphore_mem>>) src(%dma_wait3A_16 : memref<20000xi32, #tpu.memory_space<hbm>>) dst(%arg8 : memref<20000xi32, #tpu.memory_space<vmem>>)
    %parallel_loop3A_17 = arith.constant 0 : i32
    %parallel_loop3A_18 = arith.constant 1250 : i32
    %parallel_loop3A_19 = arith.constant 1 : i32
    scf.for %parallel_loop3A_263 = %parallel_loop3A_17 to %parallel_loop3A_18 step %parallel_loop3A_19  : i32 {
      %parallel_loop3A_264 = arith.constant 16 : i32
      %parallel_loop3A_265 = arith.muli %parallel_loop3A_263, %parallel_loop3A_264 : i32
      %parallel_loop3A_266 = arith.index_cast %parallel_loop3A_265 : i32 to index
      %parallel_loop3A_267 = tpu.vector_load %arg7[%parallel_loop3A_266] {strides = array<i32>} : memref<20000xi32, #tpu.memory_space<vmem>>, vector<16xi32>,
      %parallel_loop3A_268 = arith.index_cast %parallel_loop3A_265 : i32 to index
      %parallel_loop3A_269 = tpu.vector_load %arg8[%parallel_loop3A_268] {strides = array<i32>} : memref<20000xi32, #tpu.memory_space<vmem>>, vector<16xi32>,
      %parallel_loop3A_270 = tpu.vector_load_idx %arg6[%parallel_loop3A_267] : memref<20000xf32, #tpu.memory_space<vmem>>[vector<16xi32>], vector<16xf32>,
      %parallel_loop3A_271 = arith.constant 10000 : i32
      %parallel_loop3A_272 = vector.broadcast %parallel_loop3A_271 : i32 to vector<16xi32>
      %parallel_loop3A_273 = arith.addi %parallel_loop3A_269, %parallel_loop3A_272 : vector<16xi32>
      %parallel_loop3A_274 = tpu.vector_load_idx %arg6[%parallel_loop3A_273] : memref<20000xf32, #tpu.memory_space<vmem>>[vector<16xi32>], vector<16xf32>,
      %parallel_loop3A_275 = arith.addf %parallel_loop3A_270, %parallel_loop3A_274 : vector<16xf32>
      %parallel_loop3A_276 = arith.constant 0.000000e+00 : f32
      %parallel_loop3A_277 = vector.broadcast %parallel_loop3A_276 : f32 to vector<16xf32>
      %parallel_loop3A_278 = arith.maximumf %parallel_loop3A_275, %parallel_loop3A_277 : vector<16xf32>
      %parallel_loop3A_279 = arith.constant 8.000000e+01 : f32
      %parallel_loop3A_280 = vector.broadcast %parallel_loop3A_279 : f32 to vector<16xf32>
      %parallel_loop3A_281 = arith.minimumf %parallel_loop3A_278, %parallel_loop3A_280 : vector<16xf32>
      %parallel_loop3A_282 = math.exp %parallel_loop3A_281 : vector<16xf32>
      %parallel_loop3A_283 = arith.index_cast %parallel_loop3A_265 : i32 to index
      %parallel_loop3A_284 = tpu.vector_load %arg9[%parallel_loop3A_283] {strides = array<i32>} : memref<20000xf32, #tpu.memory_space<vmem>>, vector<16xf32>,
      tpu.vector_store %arg9[%parallel_loop3A_283], %parallel_loop3A_282 {strides = array<i32>} : memref<20000xf32, #tpu.memory_space<vmem>>, vector<16xf32>,
      tpu.vector_store_idx %arg10[%parallel_loop3A_267], %parallel_loop3A_282 {add = true} : memref<10240xf32, #tpu.memory_space<vmem>>[vector<16xi32>], vector<16xf32>,
    } {sc.loop_unroll_factor = 8 : i64, sc.parallel_access}
    %mul3A_20 = arith.constant 10240 : i32
    %mul3A_21 = arith.muli %arg1, %mul3A_20 : i32
    "tpu.region"() ({
      %run_scoped3A = tpu.sem_alloc : memref<!tpu.dma_semaphore, #tpu.memory_space<semaphore_mem>>
      %dma_start3A_263 = tpu.memref_slice %arg11[%mul3A_21] : memref<163840xf32, #tpu.memory_space<vmem_shared>> -> memref<10240xf32, #tpu.memory_space<vmem_shared>>
      %dma_start3A_264 = tpu.memref_slice %arg11[%mul3A_21] : memref<163840xf32, #tpu.memory_space<vmem_shared>> -> memref<10240xf32, #tpu.memory_space<vmem_shared>>
      tpu.enqueue_dma source(%arg10 : memref<10240xf32, #tpu.memory_space<vmem>>) target(%dma_start3A_264 : memref<10240xf32, #tpu.memory_space<vmem_shared>>) target_semaphore(%run_scoped3A : memref<!tpu.dma_semaphore, #tpu.memory_space<semaphore_mem>>)
      %dma_wait3A_265 = tpu.memref_slice %arg11[%mul3A_21] : memref<163840xf32, #tpu.memory_space<vmem_shared>> -> memref<10240xf32, #tpu.memory_space<vmem_shared>>
      %dma_wait3A_266 = tpu.memref_slice %arg11[%mul3A_21] : memref<163840xf32, #tpu.memory_space<vmem_shared>> -> memref<10240xf32, #tpu.memory_space<vmem_shared>>
      tpu.wait_dma2 semaphore(%run_scoped3A : memref<!tpu.dma_semaphore, #tpu.memory_space<semaphore_mem>>) src(%arg10 : memref<10240xf32, #tpu.memory_space<vmem>>) dst(%dma_wait3A_266 : memref<10240xf32, #tpu.memory_space<vmem_shared>>)
      tpu.yield
    }) : () -> ()
    %barrier3A = arith.constant 0 : index
    tpu.barrier barrier_id(%barrier3A)
    %mul3A_22 = arith.constant 640 : i32
    %mul3A_23 = arith.muli %arg1, %mul3A_22 : i32
    %add3A_24 = arith.constant 0 : i32
    %add3A_25 = arith.addi %add3A_24, %mul3A_23 : i32
    %dma_start3A_26 = arith.constant 0 : i32
    %dma_start3A_27 = tpu.memref_slice %arg6[%dma_start3A_26] : memref<20000xf32, #tpu.memory_space<vmem>> -> memref<640xf32, #tpu.memory_space<vmem>>
    %dma_start3A_28 = tpu.memref_slice %arg11[%add3A_25] : memref<163840xf32, #tpu.memory_space<vmem_shared>> -> memref<640xf32, #tpu.memory_space<vmem_shared>>
    %dma_start3A_29 = arith.constant 0 : i32
    %dma_start3A_30 = tpu.memref_slice %arg6[%dma_start3A_29] : memref<20000xf32, #tpu.memory_space<vmem>> -> memref<640xf32, #tpu.memory_space<vmem>>
    %dma_start3A_31 = tpu.memref_slice %arg11[%add3A_25] : memref<163840xf32, #tpu.memory_space<vmem_shared>> -> memref<640xf32, #tpu.memory_space<vmem_shared>>
    tpu.enqueue_dma source(%dma_start3A_31 : memref<640xf32, #tpu.memory_space<vmem_shared>>) target(%dma_start3A_30 : memref<640xf32, #tpu.memory_space<vmem>>) target_semaphore(%arg13 : memref<!tpu.dma_semaphore, #tpu.memory_space<semaphore_mem>>)
    %add3A_32 = arith.constant 10240 : i32
    %add3A_33 = arith.addi %add3A_32, %mul3A_23 : i32
    %dma_start3A_34 = arith.constant 640 : i32
    %dma_start3A_35 = tpu.memref_slice %arg6[%dma_start3A_34] : memref<20000xf32, #tpu.memory_space<vmem>> -> memref<640xf32, #tpu.memory_space<vmem>>
    %dma_start3A_36 = tpu.memref_slice %arg11[%add3A_33] : memref<163840xf32, #tpu.memory_space<vmem_shared>> -> memref<640xf32, #tpu.memory_space<vmem_shared>>
    %dma_start3A_37 = arith.constant 640 : i32
    %dma_start3A_38 = tpu.memref_slice %arg6[%dma_start3A_37] : memref<20000xf32, #tpu.memory_space<vmem>> -> memref<640xf32, #tpu.memory_space<vmem>>
    %dma_start3A_39 = tpu.memref_slice %arg11[%add3A_33] : memref<163840xf32, #tpu.memory_space<vmem_shared>> -> memref<640xf32, #tpu.memory_space<vmem_shared>>
    tpu.enqueue_dma source(%dma_start3A_39 : memref<640xf32, #tpu.memory_space<vmem_shared>>) target(%dma_start3A_38 : memref<640xf32, #tpu.memory_space<vmem>>) target_semaphore(%arg13 : memref<!tpu.dma_semaphore, #tpu.memory_space<semaphore_mem>>)
    %add3A_40 = arith.constant 20480 : i32
    %add3A_41 = arith.addi %add3A_40, %mul3A_23 : i32
    %dma_start3A_42 = arith.constant 1280 : i32
    %dma_start3A_43 = tpu.memref_slice %arg6[%dma_start3A_42] : memref<20000xf32, #tpu.memory_space<vmem>> -> memref<640xf32, #tpu.memory_space<vmem>>
    %dma_start3A_44 = tpu.memref_slice %arg11[%add3A_41] : memref<163840xf32, #tpu.memory_space<vmem_shared>> -> memref<640xf32, #tpu.memory_space<vmem_shared>>
    %dma_start3A_45 = arith.constant 1280 : i32
    %dma_start3A_46 = tpu.memref_slice %arg6[%dma_start3A_45] : memref<20000xf32, #tpu.memory_space<vmem>> -> memref<640xf32, #tpu.memory_space<vmem>>
    %dma_start3A_47 = tpu.memref_slice %arg11[%add3A_41] : memref<163840xf32, #tpu.memory_space<vmem_shared>> -> memref<640xf32, #tpu.memory_space<vmem_shared>>
    tpu.enqueue_dma source(%dma_start3A_47 : memref<640xf32, #tpu.memory_space<vmem_shared>>) target(%dma_start3A_46 : memref<640xf32, #tpu.memory_space<vmem>>) target_semaphore(%arg13 : memref<!tpu.dma_semaphore, #tpu.memory_space<semaphore_mem>>)
    %add3A_48 = arith.constant 30720 : i32
    %add3A_49 = arith.addi %add3A_48, %mul3A_23 : i32
    %dma_start3A_50 = arith.constant 1920 : i32
    %dma_start3A_51 = tpu.memref_slice %arg6[%dma_start3A_50] : memref<20000xf32, #tpu.memory_space<vmem>> -> memref<640xf32, #tpu.memory_space<vmem>>
    %dma_start3A_52 = tpu.memref_slice %arg11[%add3A_49] : memref<163840xf32, #tpu.memory_space<vmem_shared>> -> memref<640xf32, #tpu.memory_space<vmem_shared>>
    %dma_start3A_53 = arith.constant 1920 : i32
    %dma_start3A_54 = tpu.memref_slice %arg6[%dma_start3A_53] : memref<20000xf32, #tpu.memory_space<vmem>> -> memref<640xf32, #tpu.memory_space<vmem>>
    %dma_start3A_55 = tpu.memref_slice %arg11[%add3A_49] : memref<163840xf32, #tpu.memory_space<vmem_shared>> -> memref<640xf32, #tpu.memory_space<vmem_shared>>
    tpu.enqueue_dma source(%dma_start3A_55 : memref<640xf32, #tpu.memory_space<vmem_shared>>) target(%dma_start3A_54 : memref<640xf32, #tpu.memory_space<vmem>>) target_semaphore(%arg13 : memref<!tpu.dma_semaphore, #tpu.memory_space<semaphore_mem>>)
    %add3A_56 = arith.constant 40960 : i32
    %add3A_57 = arith.addi %add3A_56, %mul3A_23 : i32
    %dma_start3A_58 = arith.constant 2560 : i32
    %dma_start3A_59 = tpu.memref_slice %arg6[%dma_start3A_58] : memref<20000xf32, #tpu.memory_space<vmem>> -> memref<640xf32, #tpu.memory_space<vmem>>
    %dma_start3A_60 = tpu.memref_slice %arg11[%add3A_57] : memref<163840xf32, #tpu.memory_space<vmem_shared>> -> memref<640xf32, #tpu.memory_space<vmem_shared>>
    %dma_start3A_61 = arith.constant 2560 : i32
    %dma_start3A_62 = tpu.memref_slice %arg6[%dma_start3A_61] : memref<20000xf32, #tpu.memory_space<vmem>> -> memref<640xf32, #tpu.memory_space<vmem>>
    %dma_start3A_63 = tpu.memref_slice %arg11[%add3A_57] : memref<163840xf32, #tpu.memory_space<vmem_shared>> -> memref<640xf32, #tpu.memory_space<vmem_shared>>
    tpu.enqueue_dma source(%dma_start3A_63 : memref<640xf32, #tpu.memory_space<vmem_shared>>) target(%dma_start3A_62 : memref<640xf32, #tpu.memory_space<vmem>>) target_semaphore(%arg13 : memref<!tpu.dma_semaphore, #tpu.memory_space<semaphore_mem>>)
    %add3A_64 = arith.constant 51200 : i32
    %add3A_65 = arith.addi %add3A_64, %mul3A_23 : i32
    %dma_start3A_66 = arith.constant 3200 : i32
    %dma_start3A_67 = tpu.memref_slice %arg6[%dma_start3A_66] : memref<20000xf32, #tpu.memory_space<vmem>> -> memref<640xf32, #tpu.memory_space<vmem>>
    %dma_start3A_68 = tpu.memref_slice %arg11[%add3A_65] : memref<163840xf32, #tpu.memory_space<vmem_shared>> -> memref<640xf32, #tpu.memory_space<vmem_shared>>
    %dma_start3A_69 = arith.constant 3200 : i32
    %dma_start3A_70 = tpu.memref_slice %arg6[%dma_start3A_69] : memref<20000xf32, #tpu.memory_space<vmem>> -> memref<640xf32, #tpu.memory_space<vmem>>
    %dma_start3A_71 = tpu.memref_slice %arg11[%add3A_65] : memref<163840xf32, #tpu.memory_space<vmem_shared>> -> memref<640xf32, #tpu.memory_space<vmem_shared>>
    tpu.enqueue_dma source(%dma_start3A_71 : memref<640xf32, #tpu.memory_space<vmem_shared>>) target(%dma_start3A_70 : memref<640xf32, #tpu.memory_space<vmem>>) target_semaphore(%arg13 : memref<!tpu.dma_semaphore, #tpu.memory_space<semaphore_mem>>)
    %add3A_72 = arith.constant 61440 : i32
    %add3A_73 = arith.addi %add3A_72, %mul3A_23 : i32
    %dma_start3A_74 = arith.constant 3840 : i32
    %dma_start3A_75 = tpu.memref_slice %arg6[%dma_start3A_74] : memref<20000xf32, #tpu.memory_space<vmem>> -> memref<640xf32, #tpu.memory_space<vmem>>
    %dma_start3A_76 = tpu.memref_slice %arg11[%add3A_73] : memref<163840xf32, #tpu.memory_space<vmem_shared>> -> memref<640xf32, #tpu.memory_space<vmem_shared>>
    %dma_start3A_77 = arith.constant 3840 : i32
    %dma_start3A_78 = tpu.memref_slice %arg6[%dma_start3A_77] : memref<20000xf32, #tpu.memory_space<vmem>> -> memref<640xf32, #tpu.memory_space<vmem>>
    %dma_start3A_79 = tpu.memref_slice %arg11[%add3A_73] : memref<163840xf32, #tpu.memory_space<vmem_shared>> -> memref<640xf32, #tpu.memory_space<vmem_shared>>
    tpu.enqueue_dma source(%dma_start3A_79 : memref<640xf32, #tpu.memory_space<vmem_shared>>) target(%dma_start3A_78 : memref<640xf32, #tpu.memory_space<vmem>>) target_semaphore(%arg13 : memref<!tpu.dma_semaphore, #tpu.memory_space<semaphore_mem>>)
    %add3A_80 = arith.constant 71680 : i32
    %add3A_81 = arith.addi %add3A_80, %mul3A_23 : i32
    %dma_start3A_82 = arith.constant 4480 : i32
    %dma_start3A_83 = tpu.memref_slice %arg6[%dma_start3A_82] : memref<20000xf32, #tpu.memory_space<vmem>> -> memref<640xf32, #tpu.memory_space<vmem>>
    %dma_start3A_84 = tpu.memref_slice %arg11[%add3A_81] : memref<163840xf32, #tpu.memory_space<vmem_shared>> -> memref<640xf32, #tpu.memory_space<vmem_shared>>
    %dma_start3A_85 = arith.constant 4480 : i32
    %dma_start3A_86 = tpu.memref_slice %arg6[%dma_start3A_85] : memref<20000xf32, #tpu.memory_space<vmem>> -> memref<640xf32, #tpu.memory_space<vmem>>
    %dma_start3A_87 = tpu.memref_slice %arg11[%add3A_81] : memref<163840xf32, #tpu.memory_space<vmem_shared>> -> memref<640xf32, #tpu.memory_space<vmem_shared>>
    tpu.enqueue_dma source(%dma_start3A_87 : memref<640xf32, #tpu.memory_space<vmem_shared>>) target(%dma_start3A_86 : memref<640xf32, #tpu.memory_space<vmem>>) target_semaphore(%arg13 : memref<!tpu.dma_semaphore, #tpu.memory_space<semaphore_mem>>)
    %add3A_88 = arith.constant 81920 : i32
    %add3A_89 = arith.addi %add3A_88, %mul3A_23 : i32
    %dma_start3A_90 = arith.constant 5120 : i32
    %dma_start3A_91 = tpu.memref_slice %arg6[%dma_start3A_90] : memref<20000xf32, #tpu.memory_space<vmem>> -> memref<640xf32, #tpu.memory_space<vmem>>
    %dma_start3A_92 = tpu.memref_slice %arg11[%add3A_89] : memref<163840xf32, #tpu.memory_space<vmem_shared>> -> memref<640xf32, #tpu.memory_space<vmem_shared>>
    %dma_start3A_93 = arith.constant 5120 : i32
    %dma_start3A_94 = tpu.memref_slice %arg6[%dma_start3A_93] : memref<20000xf32, #tpu.memory_space<vmem>> -> memref<640xf32, #tpu.memory_space<vmem>>
    %dma_start3A_95 = tpu.memref_slice %arg11[%add3A_89] : memref<163840xf32, #tpu.memory_space<vmem_shared>> -> memref<640xf32, #tpu.memory_space<vmem_shared>>
    tpu.enqueue_dma source(%dma_start3A_95 : memref<640xf32, #tpu.memory_space<vmem_shared>>) target(%dma_start3A_94 : memref<640xf32, #tpu.memory_space<vmem>>) target_semaphore(%arg13 : memref<!tpu.dma_semaphore, #tpu.memory_space<semaphore_mem>>)
    %add3A_96 = arith.constant 92160 : i32
    %add3A_97 = arith.addi %add3A_96, %mul3A_23 : i32
    %dma_start3A_98 = arith.constant 5760 : i32
    %dma_start3A_99 = tpu.memref_slice %arg6[%dma_start3A_98] : memref<20000xf32, #tpu.memory_space<vmem>> -> memref<640xf32, #tpu.memory_space<vmem>>
    %dma_start3A_100 = tpu.memref_slice %arg11[%add3A_97] : memref<163840xf32, #tpu.memory_space<vmem_shared>> -> memref<640xf32, #tpu.memory_space<vmem_shared>>
    %dma_start3A_101 = arith.constant 5760 : i32
    %dma_start3A_102 = tpu.memref_slice %arg6[%dma_start3A_101] : memref<20000xf32, #tpu.memory_space<vmem>> -> memref<640xf32, #tpu.memory_space<vmem>>
    %dma_start3A_103 = tpu.memref_slice %arg11[%add3A_97] : memref<163840xf32, #tpu.memory_space<vmem_shared>> -> memref<640xf32, #tpu.memory_space<vmem_shared>>
    tpu.enqueue_dma source(%dma_start3A_103 : memref<640xf32, #tpu.memory_space<vmem_shared>>) target(%dma_start3A_102 : memref<640xf32, #tpu.memory_space<vmem>>) target_semaphore(%arg13 : memref<!tpu.dma_semaphore, #tpu.memory_space<semaphore_mem>>)
    %add3A_104 = arith.constant 102400 : i32
    %add3A_105 = arith.addi %add3A_104, %mul3A_23 : i32
    %dma_start3A_106 = arith.constant 6400 : i32
    %dma_start3A_107 = tpu.memref_slice %arg6[%dma_start3A_106] : memref<20000xf32, #tpu.memory_space<vmem>> -> memref<640xf32, #tpu.memory_space<vmem>>
    %dma_start3A_108 = tpu.memref_slice %arg11[%add3A_105] : memref<163840xf32, #tpu.memory_space<vmem_shared>> -> memref<640xf32, #tpu.memory_space<vmem_shared>>
    %dma_start3A_109 = arith.constant 6400 : i32
    %dma_start3A_110 = tpu.memref_slice %arg6[%dma_start3A_109] : memref<20000xf32, #tpu.memory_space<vmem>> -> memref<640xf32, #tpu.memory_space<vmem>>
    %dma_start3A_111 = tpu.memref_slice %arg11[%add3A_105] : memref<163840xf32, #tpu.memory_space<vmem_shared>> -> memref<640xf32, #tpu.memory_space<vmem_shared>>
    tpu.enqueue_dma source(%dma_start3A_111 : memref<640xf32, #tpu.memory_space<vmem_shared>>) target(%dma_start3A_110 : memref<640xf32, #tpu.memory_space<vmem>>) target_semaphore(%arg13 : memref<!tpu.dma_semaphore, #tpu.memory_space<semaphore_mem>>)
    %add3A_112 = arith.constant 112640 : i32
    %add3A_113 = arith.addi %add3A_112, %mul3A_23 : i32
    %dma_start3A_114 = arith.constant 7040 : i32
    %dma_start3A_115 = tpu.memref_slice %arg6[%dma_start3A_114] : memref<20000xf32, #tpu.memory_space<vmem>> -> memref<640xf32, #tpu.memory_space<vmem>>
    %dma_start3A_116 = tpu.memref_slice %arg11[%add3A_113] : memref<163840xf32, #tpu.memory_space<vmem_shared>> -> memref<640xf32, #tpu.memory_space<vmem_shared>>
    %dma_start3A_117 = arith.constant 7040 : i32
    %dma_start3A_118 = tpu.memref_slice %arg6[%dma_start3A_117] : memref<20000xf32, #tpu.memory_space<vmem>> -> memref<640xf32, #tpu.memory_space<vmem>>
    %dma_start3A_119 = tpu.memref_slice %arg11[%add3A_113] : memref<163840xf32, #tpu.memory_space<vmem_shared>> -> memref<640xf32, #tpu.memory_space<vmem_shared>>
    tpu.enqueue_dma source(%dma_start3A_119 : memref<640xf32, #tpu.memory_space<vmem_shared>>) target(%dma_start3A_118 : memref<640xf32, #tpu.memory_space<vmem>>) target_semaphore(%arg13 : memref<!tpu.dma_semaphore, #tpu.memory_space<semaphore_mem>>)
    %add3A_120 = arith.constant 122880 : i32
    %add3A_121 = arith.addi %add3A_120, %mul3A_23 : i32
    %dma_start3A_122 = arith.constant 7680 : i32
    %dma_start3A_123 = tpu.memref_slice %arg6[%dma_start3A_122] : memref<20000xf32, #tpu.memory_space<vmem>> -> memref<640xf32, #tpu.memory_space<vmem>>
    %dma_start3A_124 = tpu.memref_slice %arg11[%add3A_121] : memref<163840xf32, #tpu.memory_space<vmem_shared>> -> memref<640xf32, #tpu.memory_space<vmem_shared>>
    %dma_start3A_125 = arith.constant 7680 : i32
    %dma_start3A_126 = tpu.memref_slice %arg6[%dma_start3A_125] : memref<20000xf32, #tpu.memory_space<vmem>> -> memref<640xf32, #tpu.memory_space<vmem>>
    %dma_start3A_127 = tpu.memref_slice %arg11[%add3A_121] : memref<163840xf32, #tpu.memory_space<vmem_shared>> -> memref<640xf32, #tpu.memory_space<vmem_shared>>
    tpu.enqueue_dma source(%dma_start3A_127 : memref<640xf32, #tpu.memory_space<vmem_shared>>) target(%dma_start3A_126 : memref<640xf32, #tpu.memory_space<vmem>>) target_semaphore(%arg13 : memref<!tpu.dma_semaphore, #tpu.memory_space<semaphore_mem>>)
    %add3A_128 = arith.constant 133120 : i32
    %add3A_129 = arith.addi %add3A_128, %mul3A_23 : i32
    %dma_start3A_130 = arith.constant 8320 : i32
    %dma_start3A_131 = tpu.memref_slice %arg6[%dma_start3A_130] : memref<20000xf32, #tpu.memory_space<vmem>> -> memref<640xf32, #tpu.memory_space<vmem>>
    %dma_start3A_132 = tpu.memref_slice %arg11[%add3A_129] : memref<163840xf32, #tpu.memory_space<vmem_shared>> -> memref<640xf32, #tpu.memory_space<vmem_shared>>
    %dma_start3A_133 = arith.constant 8320 : i32
    %dma_start3A_134 = tpu.memref_slice %arg6[%dma_start3A_133] : memref<20000xf32, #tpu.memory_space<vmem>> -> memref<640xf32, #tpu.memory_space<vmem>>
    %dma_start3A_135 = tpu.memref_slice %arg11[%add3A_129] : memref<163840xf32, #tpu.memory_space<vmem_shared>> -> memref<640xf32, #tpu.memory_space<vmem_shared>>
    tpu.enqueue_dma source(%dma_start3A_135 : memref<640xf32, #tpu.memory_space<vmem_shared>>) target(%dma_start3A_134 : memref<640xf32, #tpu.memory_space<vmem>>) target_semaphore(%arg13 : memref<!tpu.dma_semaphore, #tpu.memory_space<semaphore_mem>>)
    %add3A_136 = arith.constant 143360 : i32
    %add3A_137 = arith.addi %add3A_136, %mul3A_23 : i32
    %dma_start3A_138 = arith.constant 8960 : i32
    %dma_start3A_139 = tpu.memref_slice %arg6[%dma_start3A_138] : memref<20000xf32, #tpu.memory_space<vmem>> -> memref<640xf32, #tpu.memory_space<vmem>>
    %dma_start3A_140 = tpu.memref_slice %arg11[%add3A_137] : memref<163840xf32, #tpu.memory_space<vmem_shared>> -> memref<640xf32, #tpu.memory_space<vmem_shared>>
    %dma_start3A_141 = arith.constant 8960 : i32
    %dma_start3A_142 = tpu.memref_slice %arg6[%dma_start3A_141] : memref<20000xf32, #tpu.memory_space<vmem>> -> memref<640xf32, #tpu.memory_space<vmem>>
    %dma_start3A_143 = tpu.memref_slice %arg11[%add3A_137] : memref<163840xf32, #tpu.memory_space<vmem_shared>> -> memref<640xf32, #tpu.memory_space<vmem_shared>>
    tpu.enqueue_dma source(%dma_start3A_143 : memref<640xf32, #tpu.memory_space<vmem_shared>>) target(%dma_start3A_142 : memref<640xf32, #tpu.memory_space<vmem>>) target_semaphore(%arg13 : memref<!tpu.dma_semaphore, #tpu.memory_space<semaphore_mem>>)
    %add3A_144 = arith.constant 153600 : i32
    %add3A_145 = arith.addi %add3A_144, %mul3A_23 : i32
    %dma_start3A_146 = arith.constant 9600 : i32
    %dma_start3A_147 = tpu.memref_slice %arg6[%dma_start3A_146] : memref<20000xf32, #tpu.memory_space<vmem>> -> memref<640xf32, #tpu.memory_space<vmem>>
    %dma_start3A_148 = tpu.memref_slice %arg11[%add3A_145] : memref<163840xf32, #tpu.memory_space<vmem_shared>> -> memref<640xf32, #tpu.memory_space<vmem_shared>>
    %dma_start3A_149 = arith.constant 9600 : i32
    %dma_start3A_150 = tpu.memref_slice %arg6[%dma_start3A_149] : memref<20000xf32, #tpu.memory_space<vmem>> -> memref<640xf32, #tpu.memory_space<vmem>>
    %dma_start3A_151 = tpu.memref_slice %arg11[%add3A_145] : memref<163840xf32, #tpu.memory_space<vmem_shared>> -> memref<640xf32, #tpu.memory_space<vmem_shared>>
    tpu.enqueue_dma source(%dma_start3A_151 : memref<640xf32, #tpu.memory_space<vmem_shared>>) target(%dma_start3A_150 : memref<640xf32, #tpu.memory_space<vmem>>) target_semaphore(%arg13 : memref<!tpu.dma_semaphore, #tpu.memory_space<semaphore_mem>>)
    %dma_wait3A_152 = arith.constant 0 : i32
    %dma_wait3A_153 = tpu.memref_slice %arg6[%dma_wait3A_152] : memref<20000xf32, #tpu.memory_space<vmem>> -> memref<640xf32, #tpu.memory_space<vmem>>
    %dma_wait3A_154 = tpu.memref_slice %arg11[%add3A_25] : memref<163840xf32, #tpu.memory_space<vmem_shared>> -> memref<640xf32, #tpu.memory_space<vmem_shared>>
    %dma_wait3A_155 = arith.constant 0 : i32
    %dma_wait3A_156 = tpu.memref_slice %arg6[%dma_wait3A_155] : memref<20000xf32, #tpu.memory_space<vmem>> -> memref<640xf32, #tpu.memory_space<vmem>>
    %dma_wait3A_157 = tpu.memref_slice %arg11[%add3A_25] : memref<163840xf32, #tpu.memory_space<vmem_shared>> -> memref<640xf32, #tpu.memory_space<vmem_shared>>
    tpu.wait_dma2 semaphore(%arg13 : memref<!tpu.dma_semaphore, #tpu.memory_space<semaphore_mem>>) src(%dma_wait3A_157 : memref<640xf32, #tpu.memory_space<vmem_shared>>) dst(%dma_wait3A_156 : memref<640xf32, #tpu.memory_space<vmem>>)
    %dma_wait3A_158 = arith.constant 640 : i32
    %dma_wait3A_159 = tpu.memref_slice %arg6[%dma_wait3A_158] : memref<20000xf32, #tpu.memory_space<vmem>> -> memref<640xf32, #tpu.memory_space<vmem>>
    %dma_wait3A_160 = tpu.memref_slice %arg11[%add3A_33] : memref<163840xf32, #tpu.memory_space<vmem_shared>> -> memref<640xf32, #tpu.memory_space<vmem_shared>>
    %dma_wait3A_161 = arith.constant 640 : i32
    %dma_wait3A_162 = tpu.memref_slice %arg6[%dma_wait3A_161] : memref<20000xf32, #tpu.memory_space<vmem>> -> memref<640xf32, #tpu.memory_space<vmem>>
    %dma_wait3A_163 = tpu.memref_slice %arg11[%add3A_33] : memref<163840xf32, #tpu.memory_space<vmem_shared>> -> memref<640xf32, #tpu.memory_space<vmem_shared>>
    tpu.wait_dma2 semaphore(%arg13 : memref<!tpu.dma_semaphore, #tpu.memory_space<semaphore_mem>>) src(%dma_wait3A_163 : memref<640xf32, #tpu.memory_space<vmem_shared>>) dst(%dma_wait3A_162 : memref<640xf32, #tpu.memory_space<vmem>>)
    %dma_wait3A_164 = arith.constant 1280 : i32
    %dma_wait3A_165 = tpu.memref_slice %arg6[%dma_wait3A_164] : memref<20000xf32, #tpu.memory_space<vmem>> -> memref<640xf32, #tpu.memory_space<vmem>>
    %dma_wait3A_166 = tpu.memref_slice %arg11[%add3A_41] : memref<163840xf32, #tpu.memory_space<vmem_shared>> -> memref<640xf32, #tpu.memory_space<vmem_shared>>
    %dma_wait3A_167 = arith.constant 1280 : i32
    %dma_wait3A_168 = tpu.memref_slice %arg6[%dma_wait3A_167] : memref<20000xf32, #tpu.memory_space<vmem>> -> memref<640xf32, #tpu.memory_space<vmem>>
    %dma_wait3A_169 = tpu.memref_slice %arg11[%add3A_41] : memref<163840xf32, #tpu.memory_space<vmem_shared>> -> memref<640xf32, #tpu.memory_space<vmem_shared>>
    tpu.wait_dma2 semaphore(%arg13 : memref<!tpu.dma_semaphore, #tpu.memory_space<semaphore_mem>>) src(%dma_wait3A_169 : memref<640xf32, #tpu.memory_space<vmem_shared>>) dst(%dma_wait3A_168 : memref<640xf32, #tpu.memory_space<vmem>>)
    %dma_wait3A_170 = arith.constant 1920 : i32
    %dma_wait3A_171 = tpu.memref_slice %arg6[%dma_wait3A_170] : memref<20000xf32, #tpu.memory_space<vmem>> -> memref<640xf32, #tpu.memory_space<vmem>>
    %dma_wait3A_172 = tpu.memref_slice %arg11[%add3A_49] : memref<163840xf32, #tpu.memory_space<vmem_shared>> -> memref<640xf32, #tpu.memory_space<vmem_shared>>
    %dma_wait3A_173 = arith.constant 1920 : i32
    %dma_wait3A_174 = tpu.memref_slice %arg6[%dma_wait3A_173] : memref<20000xf32, #tpu.memory_space<vmem>> -> memref<640xf32, #tpu.memory_space<vmem>>
    %dma_wait3A_175 = tpu.memref_slice %arg11[%add3A_49] : memref<163840xf32, #tpu.memory_space<vmem_shared>> -> memref<640xf32, #tpu.memory_space<vmem_shared>>
    tpu.wait_dma2 semaphore(%arg13 : memref<!tpu.dma_semaphore, #tpu.memory_space<semaphore_mem>>) src(%dma_wait3A_175 : memref<640xf32, #tpu.memory_space<vmem_shared>>) dst(%dma_wait3A_174 : memref<640xf32, #tpu.memory_space<vmem>>)
    %dma_wait3A_176 = arith.constant 2560 : i32
    %dma_wait3A_177 = tpu.memref_slice %arg6[%dma_wait3A_176] : memref<20000xf32, #tpu.memory_space<vmem>> -> memref<640xf32, #tpu.memory_space<vmem>>
    %dma_wait3A_178 = tpu.memref_slice %arg11[%add3A_57] : memref<163840xf32, #tpu.memory_space<vmem_shared>> -> memref<640xf32, #tpu.memory_space<vmem_shared>>
    %dma_wait3A_179 = arith.constant 2560 : i32
    %dma_wait3A_180 = tpu.memref_slice %arg6[%dma_wait3A_179] : memref<20000xf32, #tpu.memory_space<vmem>> -> memref<640xf32, #tpu.memory_space<vmem>>
    %dma_wait3A_181 = tpu.memref_slice %arg11[%add3A_57] : memref<163840xf32, #tpu.memory_space<vmem_shared>> -> memref<640xf32, #tpu.memory_space<vmem_shared>>
    tpu.wait_dma2 semaphore(%arg13 : memref<!tpu.dma_semaphore, #tpu.memory_space<semaphore_mem>>) src(%dma_wait3A_181 : memref<640xf32, #tpu.memory_space<vmem_shared>>) dst(%dma_wait3A_180 : memref<640xf32, #tpu.memory_space<vmem>>)
    %dma_wait3A_182 = arith.constant 3200 : i32
    %dma_wait3A_183 = tpu.memref_slice %arg6[%dma_wait3A_182] : memref<20000xf32, #tpu.memory_space<vmem>> -> memref<640xf32, #tpu.memory_space<vmem>>
    %dma_wait3A_184 = tpu.memref_slice %arg11[%add3A_65] : memref<163840xf32, #tpu.memory_space<vmem_shared>> -> memref<640xf32, #tpu.memory_space<vmem_shared>>
    %dma_wait3A_185 = arith.constant 3200 : i32
    %dma_wait3A_186 = tpu.memref_slice %arg6[%dma_wait3A_185] : memref<20000xf32, #tpu.memory_space<vmem>> -> memref<640xf32, #tpu.memory_space<vmem>>
    %dma_wait3A_187 = tpu.memref_slice %arg11[%add3A_65] : memref<163840xf32, #tpu.memory_space<vmem_shared>> -> memref<640xf32, #tpu.memory_space<vmem_shared>>
    tpu.wait_dma2 semaphore(%arg13 : memref<!tpu.dma_semaphore, #tpu.memory_space<semaphore_mem>>) src(%dma_wait3A_187 : memref<640xf32, #tpu.memory_space<vmem_shared>>) dst(%dma_wait3A_186 : memref<640xf32, #tpu.memory_space<vmem>>)
    %dma_wait3A_188 = arith.constant 3840 : i32
    %dma_wait3A_189 = tpu.memref_slice %arg6[%dma_wait3A_188] : memref<20000xf32, #tpu.memory_space<vmem>> -> memref<640xf32, #tpu.memory_space<vmem>>
    %dma_wait3A_190 = tpu.memref_slice %arg11[%add3A_73] : memref<163840xf32, #tpu.memory_space<vmem_shared>> -> memref<640xf32, #tpu.memory_space<vmem_shared>>
    %dma_wait3A_191 = arith.constant 3840 : i32
    %dma_wait3A_192 = tpu.memref_slice %arg6[%dma_wait3A_191] : memref<20000xf32, #tpu.memory_space<vmem>> -> memref<640xf32, #tpu.memory_space<vmem>>
    %dma_wait3A_193 = tpu.memref_slice %arg11[%add3A_73] : memref<163840xf32, #tpu.memory_space<vmem_shared>> -> memref<640xf32, #tpu.memory_space<vmem_shared>>
    tpu.wait_dma2 semaphore(%arg13 : memref<!tpu.dma_semaphore, #tpu.memory_space<semaphore_mem>>) src(%dma_wait3A_193 : memref<640xf32, #tpu.memory_space<vmem_shared>>) dst(%dma_wait3A_192 : memref<640xf32, #tpu.memory_space<vmem>>)
    %dma_wait3A_194 = arith.constant 4480 : i32
    %dma_wait3A_195 = tpu.memref_slice %arg6[%dma_wait3A_194] : memref<20000xf32, #tpu.memory_space<vmem>> -> memref<640xf32, #tpu.memory_space<vmem>>
    %dma_wait3A_196 = tpu.memref_slice %arg11[%add3A_81] : memref<163840xf32, #tpu.memory_space<vmem_shared>> -> memref<640xf32, #tpu.memory_space<vmem_shared>>
    %dma_wait3A_197 = arith.constant 4480 : i32
    %dma_wait3A_198 = tpu.memref_slice %arg6[%dma_wait3A_197] : memref<20000xf32, #tpu.memory_space<vmem>> -> memref<640xf32, #tpu.memory_space<vmem>>
    %dma_wait3A_199 = tpu.memref_slice %arg11[%add3A_81] : memref<163840xf32, #tpu.memory_space<vmem_shared>> -> memref<640xf32, #tpu.memory_space<vmem_shared>>
    tpu.wait_dma2 semaphore(%arg13 : memref<!tpu.dma_semaphore, #tpu.memory_space<semaphore_mem>>) src(%dma_wait3A_199 : memref<640xf32, #tpu.memory_space<vmem_shared>>) dst(%dma_wait3A_198 : memref<640xf32, #tpu.memory_space<vmem>>)
    %dma_wait3A_200 = arith.constant 5120 : i32
    %dma_wait3A_201 = tpu.memref_slice %arg6[%dma_wait3A_200] : memref<20000xf32, #tpu.memory_space<vmem>> -> memref<640xf32, #tpu.memory_space<vmem>>
    %dma_wait3A_202 = tpu.memref_slice %arg11[%add3A_89] : memref<163840xf32, #tpu.memory_space<vmem_shared>> -> memref<640xf32, #tpu.memory_space<vmem_shared>>
    %dma_wait3A_203 = arith.constant 5120 : i32
    %dma_wait3A_204 = tpu.memref_slice %arg6[%dma_wait3A_203] : memref<20000xf32, #tpu.memory_space<vmem>> -> memref<640xf32, #tpu.memory_space<vmem>>
    %dma_wait3A_205 = tpu.memref_slice %arg11[%add3A_89] : memref<163840xf32, #tpu.memory_space<vmem_shared>> -> memref<640xf32, #tpu.memory_space<vmem_shared>>
    tpu.wait_dma2 semaphore(%arg13 : memref<!tpu.dma_semaphore, #tpu.memory_space<semaphore_mem>>) src(%dma_wait3A_205 : memref<640xf32, #tpu.memory_space<vmem_shared>>) dst(%dma_wait3A_204 : memref<640xf32, #tpu.memory_space<vmem>>)
    %dma_wait3A_206 = arith.constant 5760 : i32
    %dma_wait3A_207 = tpu.memref_slice %arg6[%dma_wait3A_206] : memref<20000xf32, #tpu.memory_space<vmem>> -> memref<640xf32, #tpu.memory_space<vmem>>
    %dma_wait3A_208 = tpu.memref_slice %arg11[%add3A_97] : memref<163840xf32, #tpu.memory_space<vmem_shared>> -> memref<640xf32, #tpu.memory_space<vmem_shared>>
    %dma_wait3A_209 = arith.constant 5760 : i32
    %dma_wait3A_210 = tpu.memref_slice %arg6[%dma_wait3A_209] : memref<20000xf32, #tpu.memory_space<vmem>> -> memref<640xf32, #tpu.memory_space<vmem>>
    %dma_wait3A_211 = tpu.memref_slice %arg11[%add3A_97] : memref<163840xf32, #tpu.memory_space<vmem_shared>> -> memref<640xf32, #tpu.memory_space<vmem_shared>>
    tpu.wait_dma2 semaphore(%arg13 : memref<!tpu.dma_semaphore, #tpu.memory_space<semaphore_mem>>) src(%dma_wait3A_211 : memref<640xf32, #tpu.memory_space<vmem_shared>>) dst(%dma_wait3A_210 : memref<640xf32, #tpu.memory_space<vmem>>)
    %dma_wait3A_212 = arith.constant 6400 : i32
    %dma_wait3A_213 = tpu.memref_slice %arg6[%dma_wait3A_212] : memref<20000xf32, #tpu.memory_space<vmem>> -> memref<640xf32, #tpu.memory_space<vmem>>
    %dma_wait3A_214 = tpu.memref_slice %arg11[%add3A_105] : memref<163840xf32, #tpu.memory_space<vmem_shared>> -> memref<640xf32, #tpu.memory_space<vmem_shared>>
    %dma_wait3A_215 = arith.constant 6400 : i32
    %dma_wait3A_216 = tpu.memref_slice %arg6[%dma_wait3A_215] : memref<20000xf32, #tpu.memory_space<vmem>> -> memref<640xf32, #tpu.memory_space<vmem>>
    %dma_wait3A_217 = tpu.memref_slice %arg11[%add3A_105] : memref<163840xf32, #tpu.memory_space<vmem_shared>> -> memref<640xf32, #tpu.memory_space<vmem_shared>>
    tpu.wait_dma2 semaphore(%arg13 : memref<!tpu.dma_semaphore, #tpu.memory_space<semaphore_mem>>) src(%dma_wait3A_217 : memref<640xf32, #tpu.memory_space<vmem_shared>>) dst(%dma_wait3A_216 : memref<640xf32, #tpu.memory_space<vmem>>)
    %dma_wait3A_218 = arith.constant 7040 : i32
    %dma_wait3A_219 = tpu.memref_slice %arg6[%dma_wait3A_218] : memref<20000xf32, #tpu.memory_space<vmem>> -> memref<640xf32, #tpu.memory_space<vmem>>
    %dma_wait3A_220 = tpu.memref_slice %arg11[%add3A_113] : memref<163840xf32, #tpu.memory_space<vmem_shared>> -> memref<640xf32, #tpu.memory_space<vmem_shared>>
    %dma_wait3A_221 = arith.constant 7040 : i32
    %dma_wait3A_222 = tpu.memref_slice %arg6[%dma_wait3A_221] : memref<20000xf32, #tpu.memory_space<vmem>> -> memref<640xf32, #tpu.memory_space<vmem>>
    %dma_wait3A_223 = tpu.memref_slice %arg11[%add3A_113] : memref<163840xf32, #tpu.memory_space<vmem_shared>> -> memref<640xf32, #tpu.memory_space<vmem_shared>>
    tpu.wait_dma2 semaphore(%arg13 : memref<!tpu.dma_semaphore, #tpu.memory_space<semaphore_mem>>) src(%dma_wait3A_223 : memref<640xf32, #tpu.memory_space<vmem_shared>>) dst(%dma_wait3A_222 : memref<640xf32, #tpu.memory_space<vmem>>)
    %dma_wait3A_224 = arith.constant 7680 : i32
    %dma_wait3A_225 = tpu.memref_slice %arg6[%dma_wait3A_224] : memref<20000xf32, #tpu.memory_space<vmem>> -> memref<640xf32, #tpu.memory_space<vmem>>
    %dma_wait3A_226 = tpu.memref_slice %arg11[%add3A_121] : memref<163840xf32, #tpu.memory_space<vmem_shared>> -> memref<640xf32, #tpu.memory_space<vmem_shared>>
    %dma_wait3A_227 = arith.constant 7680 : i32
    %dma_wait3A_228 = tpu.memref_slice %arg6[%dma_wait3A_227] : memref<20000xf32, #tpu.memory_space<vmem>> -> memref<640xf32, #tpu.memory_space<vmem>>
    %dma_wait3A_229 = tpu.memref_slice %arg11[%add3A_121] : memref<163840xf32, #tpu.memory_space<vmem_shared>> -> memref<640xf32, #tpu.memory_space<vmem_shared>>
    tpu.wait_dma2 semaphore(%arg13 : memref<!tpu.dma_semaphore, #tpu.memory_space<semaphore_mem>>) src(%dma_wait3A_229 : memref<640xf32, #tpu.memory_space<vmem_shared>>) dst(%dma_wait3A_228 : memref<640xf32, #tpu.memory_space<vmem>>)
    %dma_wait3A_230 = arith.constant 8320 : i32
    %dma_wait3A_231 = tpu.memref_slice %arg6[%dma_wait3A_230] : memref<20000xf32, #tpu.memory_space<vmem>> -> memref<640xf32, #tpu.memory_space<vmem>>
    %dma_wait3A_232 = tpu.memref_slice %arg11[%add3A_129] : memref<163840xf32, #tpu.memory_space<vmem_shared>> -> memref<640xf32, #tpu.memory_space<vmem_shared>>
    %dma_wait3A_233 = arith.constant 8320 : i32
    %dma_wait3A_234 = tpu.memref_slice %arg6[%dma_wait3A_233] : memref<20000xf32, #tpu.memory_space<vmem>> -> memref<640xf32, #tpu.memory_space<vmem>>
    %dma_wait3A_235 = tpu.memref_slice %arg11[%add3A_129] : memref<163840xf32, #tpu.memory_space<vmem_shared>> -> memref<640xf32, #tpu.memory_space<vmem_shared>>
    tpu.wait_dma2 semaphore(%arg13 : memref<!tpu.dma_semaphore, #tpu.memory_space<semaphore_mem>>) src(%dma_wait3A_235 : memref<640xf32, #tpu.memory_space<vmem_shared>>) dst(%dma_wait3A_234 : memref<640xf32, #tpu.memory_space<vmem>>)
    %dma_wait3A_236 = arith.constant 8960 : i32
    %dma_wait3A_237 = tpu.memref_slice %arg6[%dma_wait3A_236] : memref<20000xf32, #tpu.memory_space<vmem>> -> memref<640xf32, #tpu.memory_space<vmem>>
    %dma_wait3A_238 = tpu.memref_slice %arg11[%add3A_137] : memref<163840xf32, #tpu.memory_space<vmem_shared>> -> memref<640xf32, #tpu.memory_space<vmem_shared>>
    %dma_wait3A_239 = arith.constant 8960 : i32
    %dma_wait3A_240 = tpu.memref_slice %arg6[%dma_wait3A_239] : memref<20000xf32, #tpu.memory_space<vmem>> -> memref<640xf32, #tpu.memory_space<vmem>>
    %dma_wait3A_241 = tpu.memref_slice %arg11[%add3A_137] : memref<163840xf32, #tpu.memory_space<vmem_shared>> -> memref<640xf32, #tpu.memory_space<vmem_shared>>
    tpu.wait_dma2 semaphore(%arg13 : memref<!tpu.dma_semaphore, #tpu.memory_space<semaphore_mem>>) src(%dma_wait3A_241 : memref<640xf32, #tpu.memory_space<vmem_shared>>) dst(%dma_wait3A_240 : memref<640xf32, #tpu.memory_space<vmem>>)
    %dma_wait3A_242 = arith.constant 9600 : i32
    %dma_wait3A_243 = tpu.memref_slice %arg6[%dma_wait3A_242] : memref<20000xf32, #tpu.memory_space<vmem>> -> memref<640xf32, #tpu.memory_space<vmem>>
    %dma_wait3A_244 = tpu.memref_slice %arg11[%add3A_145] : memref<163840xf32, #tpu.memory_space<vmem_shared>> -> memref<640xf32, #tpu.memory_space<vmem_shared>>
    %dma_wait3A_245 = arith.constant 9600 : i32
    %dma_wait3A_246 = tpu.memref_slice %arg6[%dma_wait3A_245] : memref<20000xf32, #tpu.memory_space<vmem>> -> memref<640xf32, #tpu.memory_space<vmem>>
    %dma_wait3A_247 = tpu.memref_slice %arg11[%add3A_145] : memref<163840xf32, #tpu.memory_space<vmem_shared>> -> memref<640xf32, #tpu.memory_space<vmem_shared>>
    tpu.wait_dma2 semaphore(%arg13 : memref<!tpu.dma_semaphore, #tpu.memory_space<semaphore_mem>>) src(%dma_wait3A_247 : memref<640xf32, #tpu.memory_space<vmem_shared>>) dst(%dma_wait3A_246 : memref<640xf32, #tpu.memory_space<vmem>>)
    %parallel_loop3A_248 = arith.constant 0 : i32
    %parallel_loop3A_249 = arith.constant 40 : i32
    %parallel_loop3A_250 = arith.constant 1 : i32
    %parallel_loop3A_251 = arith.constant 1.000000e-16 : f32
    scf.for %parallel_loop3A_263 = %parallel_loop3A_248 to %parallel_loop3A_249 step %parallel_loop3A_250  : i32 {
      %parallel_loop3A_264 = arith.constant 16 : i32
      %parallel_loop3A_265 = arith.muli %parallel_loop3A_263, %parallel_loop3A_264 : i32
      %parallel_loop3A_266 = arith.index_cast %parallel_loop3A_265 : i32 to index
      %parallel_loop3A_267 = tpu.vector_load %arg6[%parallel_loop3A_266] {strides = array<i32>} : memref<20000xf32, #tpu.memory_space<vmem>>, vector<16xf32>,
      %parallel_loop3A_268 = arith.constant 1 : i32
      %parallel_loop3A_269 = arith.constant 15 : i32
      %parallel_loop3A_270 = arith.addi %parallel_loop3A_268, %parallel_loop3A_269 : i32
      %parallel_loop3A_271 = arith.constant 1 : i32
      %parallel_loop3A_272 = scf.for %scan3A = %parallel_loop3A_268 to %parallel_loop3A_270 step %parallel_loop3A_271 iter_args(%scan3A_283 = %parallel_loop3A_267) -> (vector<16xf32>)  : i32 {
        %parallel_loop3A_284 = arith.constant 640 : i32
        %parallel_loop3A_285 = arith.muli %scan3A, %parallel_loop3A_284 : i32
        %parallel_loop3A_286 = arith.constant 16 : i32
        %parallel_loop3A_287 = arith.muli %parallel_loop3A_263, %parallel_loop3A_286 : i32
        %parallel_loop3A_288 = arith.addi %parallel_loop3A_285, %parallel_loop3A_287 : i32
        %parallel_loop3A_289 = arith.index_cast %parallel_loop3A_288 : i32 to index
        %parallel_loop3A_290 = tpu.vector_load %arg6[%parallel_loop3A_289] {strides = array<i32>} : memref<20000xf32, #tpu.memory_space<vmem>>, vector<16xf32>,
        %parallel_loop3A_291 = arith.addf %scan3A_283, %parallel_loop3A_290 : vector<16xf32>
        scf.yield %parallel_loop3A_291 : vector<16xf32>
      }
      %parallel_loop3A_273 = arith.constant 15 : i32
      %parallel_loop3A_274 = vector.broadcast %parallel_loop3A_251 : f32 to vector<16xf32>
      %parallel_loop3A_275 = arith.addf %parallel_loop3A_272, %parallel_loop3A_274 : vector<16xf32>
      %parallel_loop3A_276 = arith.constant 1.000000e+00 : f32
      %parallel_loop3A_277 = vector.broadcast %parallel_loop3A_276 : f32 to vector<16xf32>
      %parallel_loop3A_278 = arith.divf %parallel_loop3A_277, %parallel_loop3A_275 : vector<16xf32>
      %parallel_loop3A_279 = arith.constant 16 : i32
      %parallel_loop3A_280 = arith.muli %parallel_loop3A_263, %parallel_loop3A_279 : i32
      %parallel_loop3A_281 = arith.index_cast %parallel_loop3A_280 : i32 to index
      %parallel_loop3A_282 = tpu.vector_load %arg10[%parallel_loop3A_281] {strides = array<i32>} : memref<10240xf32, #tpu.memory_space<vmem>>, vector<16xf32>,
      tpu.vector_store %arg10[%parallel_loop3A_281], %parallel_loop3A_278 {strides = array<i32>} : memref<10240xf32, #tpu.memory_space<vmem>>, vector<16xf32>,
    } {sc.loop_unroll_factor = 4 : i64, sc.parallel_access}
    "tpu.region"() ({
      %run_scoped3A = tpu.sem_alloc : memref<!tpu.dma_semaphore, #tpu.memory_space<semaphore_mem>>
      %dma_start3A_263 = arith.constant 0 : i32
      %dma_start3A_264 = tpu.memref_slice %arg10[%dma_start3A_263] : memref<10240xf32, #tpu.memory_space<vmem>> -> memref<640xf32, #tpu.memory_space<vmem>>
      %dma_start3A_265 = tpu.memref_slice %arg12[%mul3A_23] : memref<10240xf32, #tpu.memory_space<vmem_shared>> -> memref<640xf32, #tpu.memory_space<vmem_shared>>
      %dma_start3A_266 = tpu.memref_slice %arg12[%mul3A_23] : memref<10240xf32, #tpu.memory_space<vmem_shared>> -> memref<640xf32, #tpu.memory_space<vmem_shared>>
      %dma_start3A_267 = arith.constant 0 : i32
      %dma_start3A_268 = tpu.memref_slice %arg10[%dma_start3A_267] : memref<10240xf32, #tpu.memory_space<vmem>> -> memref<640xf32, #tpu.memory_space<vmem>>
      tpu.enqueue_dma source(%dma_start3A_268 : memref<640xf32, #tpu.memory_space<vmem>>) target(%dma_start3A_266 : memref<640xf32, #tpu.memory_space<vmem_shared>>) target_semaphore(%run_scoped3A : memref<!tpu.dma_semaphore, #tpu.memory_space<semaphore_mem>>)
      %dma_wait3A_269 = arith.constant 0 : i32
      %dma_wait3A_270 = tpu.memref_slice %arg10[%dma_wait3A_269] : memref<10240xf32, #tpu.memory_space<vmem>> -> memref<640xf32, #tpu.memory_space<vmem>>
      %dma_wait3A_271 = tpu.memref_slice %arg12[%mul3A_23] : memref<10240xf32, #tpu.memory_space<vmem_shared>> -> memref<640xf32, #tpu.memory_space<vmem_shared>>
      %dma_wait3A_272 = tpu.memref_slice %arg12[%mul3A_23] : memref<10240xf32, #tpu.memory_space<vmem_shared>> -> memref<640xf32, #tpu.memory_space<vmem_shared>>
      %dma_wait3A_273 = arith.constant 0 : i32
      %dma_wait3A_274 = tpu.memref_slice %arg10[%dma_wait3A_273] : memref<10240xf32, #tpu.memory_space<vmem>> -> memref<640xf32, #tpu.memory_space<vmem>>
      tpu.wait_dma2 semaphore(%run_scoped3A : memref<!tpu.dma_semaphore, #tpu.memory_space<semaphore_mem>>) src(%dma_wait3A_274 : memref<640xf32, #tpu.memory_space<vmem>>) dst(%dma_wait3A_272 : memref<640xf32, #tpu.memory_space<vmem_shared>>)
      tpu.yield
    }) : () -> ()
    %barrier3A_252 = arith.constant 0 : index
    tpu.barrier barrier_id(%barrier3A_252)
    "tpu.region"() ({
      %run_scoped3A = tpu.sem_alloc : memref<!tpu.dma_semaphore, #tpu.memory_space<semaphore_mem>>
      tpu.enqueue_dma source(%arg12 : memref<10240xf32, #tpu.memory_space<vmem_shared>>) target(%arg10 : memref<10240xf32, #tpu.memory_space<vmem>>) target_semaphore(%run_scoped3A : memref<!tpu.dma_semaphore, #tpu.memory_space<semaphore_mem>>)
      tpu.wait_dma2 semaphore(%run_scoped3A : memref<!tpu.dma_semaphore, #tpu.memory_space<semaphore_mem>>) src(%arg12 : memref<10240xf32, #tpu.memory_space<vmem_shared>>) dst(%arg10 : memref<10240xf32, #tpu.memory_space<vmem>>)
      tpu.yield
    }) : () -> ()
    %parallel_loop3A_253 = arith.constant 0 : i32
    %parallel_loop3A_254 = arith.constant 1250 : i32
    %parallel_loop3A_255 = arith.constant 1 : i32
    scf.for %parallel_loop3A_263 = %parallel_loop3A_253 to %parallel_loop3A_254 step %parallel_loop3A_255  : i32 {
      %parallel_loop3A_264 = arith.constant 16 : i32
      %parallel_loop3A_265 = arith.muli %parallel_loop3A_263, %parallel_loop3A_264 : i32
      %parallel_loop3A_266 = arith.index_cast %parallel_loop3A_265 : i32 to index
      %parallel_loop3A_267 = tpu.vector_load %arg7[%parallel_loop3A_266] {strides = array<i32>} : memref<20000xi32, #tpu.memory_space<vmem>>, vector<16xi32>,
      %parallel_loop3A_268 = tpu.vector_load_idx %arg10[%parallel_loop3A_267] : memref<10240xf32, #tpu.memory_space<vmem>>[vector<16xi32>], vector<16xf32>,
      %parallel_loop3A_269 = arith.index_cast %parallel_loop3A_265 : i32 to index
      %parallel_loop3A_270 = tpu.vector_load %arg9[%parallel_loop3A_269] {strides = array<i32>} : memref<20000xf32, #tpu.memory_space<vmem>>, vector<16xf32>,
      %parallel_loop3A_271 = arith.mulf %parallel_loop3A_270, %parallel_loop3A_268 : vector<16xf32>
      %parallel_loop3A_272 = arith.index_cast %parallel_loop3A_265 : i32 to index
      %parallel_loop3A_273 = tpu.vector_load %arg9[%parallel_loop3A_272] {strides = array<i32>} : memref<20000xf32, #tpu.memory_space<vmem>>, vector<16xf32>,
      tpu.vector_store %arg9[%parallel_loop3A_272], %parallel_loop3A_271 {strides = array<i32>} : memref<20000xf32, #tpu.memory_space<vmem>>, vector<16xf32>,
    } {sc.loop_unroll_factor = 8 : i64, sc.parallel_access}
    %eq3A = arith.constant 0 : i32
    %eq3A_256 = arith.cmpi eq, %arg0, %eq3A : i32
    %convert_element_type3A = arith.extui %eq3A_256 : i1 to i32
    %cond3A = arith.constant 0 : i32
    %cond3A_257 = arith.cmpi ne, %convert_element_type3A, %cond3A : i32
    scf.if %cond3A_257 {
      "tpu.region"() ({
        %run_scoped3A = tpu.sem_alloc : memref<!tpu.dma_semaphore, #tpu.memory_space<semaphore_mem>>
        %dma_start3A_263 = tpu.memref_slice %arg4[%mul3A_0] : memref<320000xf32, #tpu.memory_space<hbm>> -> memref<20000xf32, #tpu.memory_space<hbm>>
        %dma_start3A_264 = tpu.memref_slice %arg4[%mul3A_0] : memref<320000xf32, #tpu.memory_space<hbm>> -> memref<20000xf32, #tpu.memory_space<hbm>>
        tpu.enqueue_dma source(%arg9 : memref<20000xf32, #tpu.memory_space<vmem>>) target(%dma_start3A_264 : memref<20000xf32, #tpu.memory_space<hbm>>) target_semaphore(%run_scoped3A : memref<!tpu.dma_semaphore, #tpu.memory_space<semaphore_mem>>)
        %dma_wait3A_265 = tpu.memref_slice %arg4[%mul3A_0] : memref<320000xf32, #tpu.memory_space<hbm>> -> memref<20000xf32, #tpu.memory_space<hbm>>
        %dma_wait3A_266 = tpu.memref_slice %arg4[%mul3A_0] : memref<320000xf32, #tpu.memory_space<hbm>> -> memref<20000xf32, #tpu.memory_space<hbm>>
        tpu.wait_dma2 semaphore(%run_scoped3A : memref<!tpu.dma_semaphore, #tpu.memory_space<semaphore_mem>>) src(%arg9 : memref<20000xf32, #tpu.memory_space<vmem>>) dst(%dma_wait3A_266 : memref<20000xf32, #tpu.memory_space<hbm>>)
        tpu.yield
      }) : () -> ()
    } else {
    }
    %eq3A_258 = arith.constant 1 : i32
    %eq3A_259 = arith.cmpi eq, %arg0, %eq3A_258 : i32
    %convert_element_type3A_260 = arith.extui %eq3A_259 : i1 to i32
    %cond3A_261 = arith.constant 0 : i32
    %cond3A_262 = arith.cmpi ne, %convert_element_type3A_260, %cond3A_261 : i32
    scf.if %cond3A_262 {
      "tpu.region"() ({
        %run_scoped3A = tpu.sem_alloc : memref<!tpu.dma_semaphore, #tpu.memory_space<semaphore_mem>>
        %dma_start3A_263 = tpu.memref_slice %arg5[%mul3A_0] : memref<320000xf32, #tpu.memory_space<hbm>> -> memref<20000xf32, #tpu.memory_space<hbm>>
        %dma_start3A_264 = tpu.memref_slice %arg5[%mul3A_0] : memref<320000xf32, #tpu.memory_space<hbm>> -> memref<20000xf32, #tpu.memory_space<hbm>>
        tpu.enqueue_dma source(%arg9 : memref<20000xf32, #tpu.memory_space<vmem>>) target(%dma_start3A_264 : memref<20000xf32, #tpu.memory_space<hbm>>) target_semaphore(%run_scoped3A : memref<!tpu.dma_semaphore, #tpu.memory_space<semaphore_mem>>)
        %dma_wait3A_265 = tpu.memref_slice %arg5[%mul3A_0] : memref<320000xf32, #tpu.memory_space<hbm>> -> memref<20000xf32, #tpu.memory_space<hbm>>
        %dma_wait3A_266 = tpu.memref_slice %arg5[%mul3A_0] : memref<320000xf32, #tpu.memory_space<hbm>> -> memref<20000xf32, #tpu.memory_space<hbm>>
        tpu.wait_dma2 semaphore(%run_scoped3A : memref<!tpu.dma_semaphore, #tpu.memory_space<semaphore_mem>>) src(%arg9 : memref<20000xf32, #tpu.memory_space<vmem>>) dst(%dma_wait3A_266 : memref<20000xf32, #tpu.memory_space<hbm>>)
        tpu.yield
      }) : () -> ()
    } else {
    }
    return
  }
}

module attributes {stable_mosaic.version = 14 : i64} {
  func.func @_combine_body(%arg0: memref<320000xf32, #tpu.memory_space<vmem>>, %arg1: memref<320000xf32, #tpu.memory_space<vmem>>, %arg2: memref<320000xi32, #tpu.memory_space<vmem>>, %arg3: memref<320000xf32, #tpu.memory_space<vmem>>) attributes {dimension_semantics = [], scalar_prefetch = 0 : i64, scratch_operands = 0 : i64, tpu.core_type = #tpu.core_type<tc>} {
    %get3A = arith.constant 0 : index
    %get3A_0 = vector.load %arg2[%get3A] : memref<320000xi32, #tpu.memory_space<vmem>>, vector<320000xi32>
    %ne3A = arith.constant 0 : i32
    %ne3A_1 = vector.broadcast %ne3A : i32 to vector<320000xi32>
    %ne3A_2 = arith.cmpi ne, %get3A_0, %ne3A_1 : vector<320000xi32>
    %get3A_3 = arith.constant 0 : index
    %get3A_4 = vector.load %arg0[%get3A_3] : memref<320000xf32, #tpu.memory_space<vmem>>, vector<320000xf32>
    %get3A_5 = arith.constant 0 : index
    %get3A_6 = vector.load %arg1[%get3A_5] : memref<320000xf32, #tpu.memory_space<vmem>>, vector<320000xf32>
    %add3A = arith.addf %get3A_4, %get3A_6 : vector<320000xf32>
    %jit3A = arith.constant 0.000000e+00 : f32
    %broadcast_in_dim3A = vector.broadcast %jit3A : f32 to vector<320000xf32>
    %select_n3A = arith.select %ne3A_2, %add3A, %broadcast_in_dim3A : vector<320000xi1>, vector<320000xf32>
    %swap3A = arith.constant 0 : index
    %swap3A_7 = vector.load %arg3[%swap3A] : memref<320000xf32, #tpu.memory_space<vmem>>, vector<320000xf32>
    tpu.vector_store %arg3[%swap3A], %select_n3A {strides = array<i32>} : memref<320000xf32, #tpu.memory_space<vmem>>, vector<320000xf32>,
    return
  }
}

module attributes {stable_mosaic.version = 14 : i64} {
  func.func @_proj_body(%arg0: memref<2x256xf32, #tpu.memory_space<vmem>>, %arg1: memref<1x2xf32, #tpu.memory_space<vmem>>, %arg2: memref<10000x128xf32, #tpu.memory_space<vmem>>, %arg3: memref<4x10000xf32, #tpu.memory_space<vmem>>) attributes {dimension_semantics = [], scalar_prefetch = 0 : i64, scratch_operands = 0 : i64, tpu.core_type = #tpu.core_type<tc>} {
    %get3A = arith.constant 0 : index
    %get3A_0 = arith.constant 0 : index
    %get3A_1 = vector.load %arg0[%get3A, %get3A_0] : memref<2x256xf32, #tpu.memory_space<vmem>>, vector<1x128xf32>
    %get3A_2 = arith.constant 0 : index
    %get3A_3 = arith.constant 128 : index
    %get3A_4 = vector.load %arg0[%get3A_2, %get3A_3] : memref<2x256xf32, #tpu.memory_space<vmem>>, vector<1x128xf32>
    %get3A_5 = arith.constant 1 : index
    %get3A_6 = arith.constant 0 : index
    %get3A_7 = vector.load %arg0[%get3A_5, %get3A_6] : memref<2x256xf32, #tpu.memory_space<vmem>>, vector<1x128xf32>
    %get3A_8 = arith.constant 1 : index
    %get3A_9 = arith.constant 128 : index
    %get3A_10 = vector.load %arg0[%get3A_8, %get3A_9] : memref<2x256xf32, #tpu.memory_space<vmem>>, vector<1x128xf32>
    %concatenate3A = tpu.concatenate %get3A_1, %get3A_4, %get3A_7, %get3A_10 in 0 : vector<1x128xf32>, vector<1x128xf32>, vector<1x128xf32>, vector<1x128xf32> -> vector<4x128xf32>
    %get3A_11 = arith.constant 0 : index
    %get3A_12 = arith.constant 0 : index
    %get3A_13 = vector.load %arg2[%get3A_11, %get3A_12] : memref<10000x128xf32, #tpu.memory_space<vmem>>, vector<10000x128xf32>
    %dot_general3A = arith.constant dense<0.000000e+00> : vector<4x10000xf32>
    %dot_general3A_14 = tpu.matmul %concatenate3A, %get3A_13, %dot_general3A {dimension_numbers = #tpu.dot_dimension_numbers<[1], [1], [0], [0], [0, 0, 1, 0], [], []>, transpose_lhs_hint = false} : vector<4x128xf32>, vector<10000x128xf32>, vector<4x10000xf32> -> vector<4x10000xf32>
    %broadcast_in_dim3A = arith.constant 0.000000e+00 : f32
    %broadcast_in_dim3A_15 = vector.broadcast %broadcast_in_dim3A : f32 to vector<1x1xf32>
    %get3A_16 = arith.constant 0 : index
    %get3A_17 = arith.constant 0 : index
    %get3A_18 = vector.load %arg1[%get3A_16, %get3A_17] : memref<1x2xf32, #tpu.memory_space<vmem>>, vector<1x1xf32>
    %get3A_19 = arith.constant 0 : index
    %get3A_20 = arith.constant 1 : index
    %get3A_21 = vector.load %arg1[%get3A_19, %get3A_20] : memref<1x2xf32, #tpu.memory_space<vmem>>, vector<1x1xf32>
    %concatenate3A_22 = tpu.concatenate %get3A_18, %broadcast_in_dim3A_15, %get3A_21, %broadcast_in_dim3A_15 in 0 : vector<1x1xf32>, vector<1x1xf32>, vector<1x1xf32>, vector<1x1xf32> -> vector<4x1xf32>
    %add3A = vector.broadcast %concatenate3A_22 : vector<4x1xf32> to vector<4x10000xf32>
    %add3A_23 = arith.addf %dot_general3A_14, %add3A : vector<4x10000xf32>
    %swap3A = arith.constant 0 : index
    %swap3A_24 = arith.constant 0 : index
    %swap3A_25 = vector.load %arg3[%swap3A, %swap3A_24] : memref<4x10000xf32, #tpu.memory_space<vmem>>, vector<4x10000xf32>
    tpu.vector_store %arg3[%swap3A, %swap3A_24], %add3A_23 {strides = array<i32>} : memref<4x10000xf32, #tpu.memory_space<vmem>>, vector<4x10000xf32>,
    return
  }
}

</mosaic_0001>

<sc_bundles>
// kernel: kernel.5.cloned.1.call-start
scs
__scs_entry_jumppad:
0x0: {  	(pc) =	sbr.rel $0x88, $3  }
0x1: {  	(tag) =	ssettag $0x0;
	lr =	simm.s32 $0x1  }
0x2: {  	[smem:$0x3F9C] =	sst lr;
	_ =	strace $0xD0000000  }
0x3: {  	_ = 	snop  }
0x4: {  	_ = 	snop  }
0x5: {  	_ = 	snop  }
0x6: {  	_ = 	snop  }
0x7: {  	_ = 	snop  }
__scs_overlays_trampoline_lowered:
0x8: {  	[smem:$0x3FAB] =	sst s0  }
0x9: {  	[smem:$0x3FAC] =	sst s1  }
0xa: {  	[smem:$0x3FAD] =	sst s2  }
0xb: {  	[smem:$0x3FAE] =	sst s3  }
0xc: {  	[smem:$0x3FAF] =	sst s4  }
0xd: {  	[smem:$0x3FB0] =	sst s5  }
0xe: {  	[smem:$0x3FB1] =	sst s6  }
0xf: {  	[smem:$0x3FB2] =	sst s7  }
0x10: {  	[smem:$0x3FB3] =	sst s8  }
0x11: {  	[smem:$0x3FB4] =	sst s9;
	s0 =	simm.s32 @!p0 $0x0  }
0x12: {  	s1 =	sld [smem:$0x3F9A];
	s0 =	simm.s32 @p0 $0x1  }
0x13: {  	[smem:$0x3FB5] =	sst s0;
	s0 =	simm.s32 @!p1 $0x0  }
0x14: {  	s2 =	sld [smem:$0x3F99];
	s0 =	simm.s32 @p1 $0x1  }
0x15: {  	[smem:$0x3FB6] =	sst s0;
	s0 =	simm.s32 @!p2 $0x0  }
0x16: {  	s3 =	sld [smem:$0x3FDB];
	s0 =	simm.s32 @p2 $0x1  }
0x17: {  	s4 =	simm.s32 $0x1BF5;
	[smem:$0x3FB8] =	sst s0  }
0x18: {  	s0 =	sld [smem:$0x3F9B];
	_ =	swait.ge [sflag:s4], $0x0  }
0x19: {  	s7 =	sld [smem:$0x3F9C]  }
0x1a: {  	s8 =	sadd.s32 $0xFFFFE003, lr  }
0x1b: {  	s9 =	sadd.s32 $0xFFFFFEF7, lr;
	s5 =	simm.s32 $0xFFFFFFFF;
	p2 =	slt.u32 s8, $0xFFFFF086  }
0x1c: {  	p1 =	slt.u32 s9, $0xF7A;
	s5 =	simm.s32 @!p2 $0x0  }
0x1d: {  	s5 =	simm.s32 @p1 $0x1;
	p0 =	seq.s32 s7, s2  }
0x1e: {  	s7 =	smul.u32 @!p0 $0xF7A, s2;
	p2 =	seq.s32 @!p0 s5, $0x0  }
0x1f: {  	s9 =	smul.u32 $0xF7A, s1;
	s8 =	simm.s32 @!p0 $0x1BF5;
	p2 =	por !p2, p0  }
0x20: {  	[sflag:s8] =	ssyncset.s32 @!p0 $0xFFFFF086;
	s6 =	sadd.s32 @!p0 s3, s7;
	s7 =	simm.s32 @!p0 $0x108  }
0x21: {  	s3 =	sadd.s32 s3, s9;
	s6 =	sadd.s32 @!p0 $0x88, s6;
	s7 =	simm.s32 @p2 $0x1082  }
0x22: {  	[simem:s7], [sflag:s8] =	dma.local @!p0 [hbm:s6], $0xF7A  }
0x23: {  	s9 =	sor.u32 $0xD0000000, s2;
	s6 =	simm.s32 $0x108;
	_ =	swait.ge @!p0 [sflag:s8], $0x0  }
0x24: {  	s3 =	sadd.s32 $0x88, s3;
	s6 =	simm.s32 @!p1 $0x1082;
	[sflag:s4] =	ssyncset.s32 $0xFFFFF086  }
0x25: {  	[simem:s6], [sflag:s4] =	dma.local [hbm:s3], $0xF7A  }
0x26: {  	[smem:$0x3F9C] =	sst s1;
	(tag) =	ssettag s2;
	_ =	strace s9  }
0x27: {  	s1 =	sld [smem:$0x3FAC]  }
0x28: {  	s2 =	sld [smem:$0x3FAD]  }
0x29: {  	s4 =	sld [smem:$0x3FAF]  }
0x2a: {  	p0 =	seq.s32 s5, $0x0;
	s5 =	sld [smem:$0x3FB0]  }
0x2b: {  	s6 =	sld [smem:$0x3FB1]  }
0x2c: {  	s7 =	sld [smem:$0x3FB2]  }
0x2d: {  	s3 =	simm.s32 $0x108;
	s8 =	sld [smem:$0x3FB3]  }
0x2e: {  	s3 =	simm.s32 @!p0 $0x1082;
	s9 =	sld [smem:$0x3FB4]  }
0x2f: {  	lr =	sadd.s32 s0, s3;
	s0 =	sld [smem:$0x3FAB]  }
0x30: {  	s3 =	sld [smem:$0x3FAE]  }
0x31: {  	[smem:$0x3FB7] =	sst s10  }
0x32: {  	s10 =	sld [smem:$0x3FB5];
	_ =	sdelay $0x3  }
0x33: {  	p0 =	seq.s32 s10, $0x1;
	s10 =	sld [smem:$0x3FB7];
	_ =	sdelay $0x3  }
0x34: {  	[smem:$0x3FB7] =	sst s10  }
0x35: {  	s10 =	sld [smem:$0x3FB6];
	_ =	sdelay $0x3  }
0x36: {  	p1 =	seq.s32 s10, $0x1;
	s10 =	sld [smem:$0x3FB7];
	_ =	sdelay $0x3  }
0x37: {  	[smem:$0x3FB7] =	sst s10  }
0x38: {  	s10 =	sld [smem:$0x3FB8]  }
0x39: {  	_ = 	snop;
	(pc) =	sbr.ind lr, $3  }
0x3a: {  	_ = 	snop  }
0x3b: {  	_ = 	snop  }
0x3c: {  	p2 =	seq.s32 s10, $0x1;
	s10 =	sld [smem:$0x3FB7]  }
0x3d: {  	_ =	shalt  }
0x3e: {  	_ =	shalt  }
0x3f: {  	_ =	shalt  }
0x40: {  	_ =	shalt  }
0x41: {  	_ =	shalt  }
0x42: {  	_ =	shalt  }
0x43: {  	_ =	shalt  }
0x44: {  	_ =	shalt  }
0x45: {  	_ =	shalt  }
0x46: {  	_ =	shalt  }
0x47: {  	_ =	shalt  }
0x48: {  	_ =	shalt  }
0x49: {  	_ =	shalt  }
0x4a: {  	_ =	shalt  }
0x4b: {  	_ =	shalt  }
0x4c: {  	_ =	shalt  }
0x4d: {  	_ =	shalt  }
0x4e: {  	_ =	shalt  }
0x4f: {  	_ =	shalt  }
0x50: {  	_ =	shalt  }
0x51: {  	_ =	shalt  }
0x52: {  	_ =	shalt  }
0x53: {  	_ =	shalt  }
0x54: {  	_ =	shalt  }
0x55: {  	_ =	shalt  }
0x56: {  	_ =	shalt  }
0x57: {  	_ =	shalt  }
0x58: {  	_ =	shalt  }
0x59: {  	_ =	shalt  }
0x5a: {  	_ =	shalt  }
0x5b: {  	_ =	shalt  }
0x5c: {  	_ =	shalt  }
0x5d: {  	_ =	shalt  }
0x5e: {  	_ =	shalt  }
0x5f: {  	_ =	shalt  }
0x60: {  	_ =	shalt  }
0x61: {  	_ =	shalt  }
0x62: {  	_ =	shalt  }
0x63: {  	_ =	shalt  }
0x64: {  	_ =	shalt  }
0x65: {  	_ =	shalt  }
0x66: {  	_ =	shalt  }
0x67: {  	_ =	shalt  }
0x68: {  	_ =	shalt  }
0x69: {  	_ =	shalt  }
0x6a: {  	_ =	shalt  }
0x6b: {  	_ =	shalt  }
0x6c: {  	_ =	shalt  }
0x6d: {  	_ =	shalt  }
0x6e: {  	_ =	shalt  }
0x6f: {  	_ =	shalt  }
0x70: {  	_ =	shalt  }
0x71: {  	_ =	shalt  }
0x72: {  	_ =	shalt  }
0x73: {  	_ =	shalt  }
0x74: {  	_ =	shalt  }
0x75: {  	_ =	shalt  }
0x76: {  	_ =	shalt  }
0x77: {  	_ =	shalt  }
0x78: {  	_ =	shalt  }
0x79: {  	_ =	shalt  }
0x7a: {  	_ =	shalt  }
0x7b: {  	_ =	shalt  }
0x7c: {  	_ =	shalt  }
0x7d: {  	_ =	shalt  }
0x7e: {  	_ =	shalt  }
0x7f: {  	_ =	shalt  }
0x80: {  	_ =	shalt  }
0x81: {  	_ =	shalt  }
0x82: {  	_ =	shalt  }
0x83: {  	_ =	shalt  }
0x84: {  	_ =	shalt  }
0x85: {  	_ =	shalt  }
0x86: {  	_ =	shalt  }
0x87: {  	_ =	shalt  }
.Lfunc_end0:
.L_simem_size_0:
called_computation_lowered:
.L_overlay_start_0:
0x88: {  	s2 =	sld [smem:$0x3FD9]  }
0x89: {  	s3 =	sld [smem:$0x3FFE];
	_ =	sdelay $0x1  }
0x8a: {  	s1 =	srdreg.scid  }
0x8b: {  	s0 =	sand.u32 $0x1, s1  }
0x8c: {  	s17 =	sshll.u32 s0, $0xA;
	s2 =	sadd.s32 s3, s2  }
0x8d: {  	s2 =	sadd.s32 s2, s17  }
0x8e: {  	[smem:$0x3FC3] =	sst s2  }
0x8f: {  	_ = 	snop  }
0x90: {  	s2 =	sld [smem:$0x3FD0];
	(tm) =	ssettm $0x1  }
0x91: {  	s18 =	sld [smem:$0x3FFB];
	_ =	sdelay $0x3  }
0x92: {  	_ =	strace s18  }
0x93: {  	s3 =	sld [smem:$0x3FFC];
	_ =	sdelay $0x3  }
0x94: {  	_ =	strace s3  }
0x95: {  	s3 =	sld [smem:$0x3FFD];
	_ =	sdelay $0x3  }
0x96: {  	_ =	strace s3  }
0x97: {  	_ =	strace $0x8FFFFFFF  }
0x98: {  	s19 =	sld [smem:$0x3FDB];
	_ =	sdelay $0x1  }
0x99: {  	s4 =	simm.s32 $_scs_section_size  }
0x9a: {  	s5 =	simm.s32 $_size__tile_overlayer_lowered;
	s6 =	simm.s32 $_tile_overlayer_lowered  }
0x9b: {  	s22 =	simm.s32 $0x1BFF;
	s21 =	sshll.u32 s6, $0x1;
	s3 =	sadd.s32 s4, s19  }
0x9c: {  	s7 =	simm.s32 $0x0;
	s20 =	sshll.u32 s5, $0x1;
	s5 =	sadd.s32 s21, s3  }
0x9d: {  	[timem:s7], [sflag:s22] =	dma.local [hbm:s5], s20  }
0x9e: {  	_ =	swait.ge [sflag:s22], s20  }
0x9f: {  	s4 =	ssub.s32 $0x0, s20;
	[sflag:s22] =	ssyncset.done $0x0  }
0xa0: {  	[sflag:s22] =	ssyncadd.s32 s4;
	_ =	sdelay $0x1  }
0xa1: {  	s23 =	simm.s32 $0x1B8B  }
0xa2: {  	_ =	swait.ge [sflag:s23], $0x1  }
0xa3: {  	[sflag:s23] =	ssyncset.done $0x0  }
0xa4: {  	s25 =	simm.s32 $0x1B8E;
	s24 =	sld [smem:$0x3FFE];
	[sflag:s23] =	ssyncadd.s32 $0xFFFFFFFF  }
0xa5: {  	s26 =	simm.s32 $execute0_lowered;
	[smem:$0x3FD2] =	sst s25  }
0xa6: {  	s5 =	sshll.u32 s26, $0x1;
	_ =	strace $0x80000046;
	[dreg:$0x1] =	wrdreg $0xFFFFFFFF  }
0xa7: {  	s28 =	simm.s32 $_size_execute0_lowered;
	s3 =	sadd.s32 s3, s5;
	[dreg:$0x0] =	wrdreg $0x0  }
0xa8: {  	s5 =	sshll.u32 s28, $0x1;
	[dreg:$0x2] =	wrdreg s3  }
0xa9: {  	[dreg:$0x3] =	wrdreg s5  }
0xaa: {  	[dreg:$0x4] =	wrdreg $0xC0  }
0xab: {  	_ =	task [dreg:s7], $0x5FFFF  }
0xac: {  	[dreg:$0x1] =	wrdreg $0xFFFFFFFF  }
0xad: {  	[dreg:$0x0] =	wrdreg $0x60  }
0xae: {  	[dreg:$0x2] =	wrdreg s24  }
0xaf: {  	[dreg:$0x3] =	wrdreg s2  }
0xb0: {  	[dreg:$0x4] =	wrdreg $0x162000  }
0xb1: {  	[dreg:$0x5] =	wrdreg $0x18A000  }
0xb2: {  	[dreg:$0x6] =	wrdreg $0x9  }
0xb3: {  	_ =	task.clear_ibuf [dreg:s7], $0x7FFFF;
	_ =	strace $0x90000046  }
0xb4: {  	s29 =	simm.s32 $0x9;
	_ =	strace $0x80000048  }
0xb5: {  	_ =	swait.ge [sflag:s29], $0x1  }
0xb6: {  	[sflag:s29] =	ssyncadd.s32 $0xFFFFFFFF  }
0xb7: {  	_ =	strace $0x90000048  }
0xb8: {  	_ =	sfence  }
0xb9: {  	s30 =	sld [smem:$0x0];
	_ =	sdelay $0x2  }
0xba: {  	s31 =	sshll.u32 s1, $0xD;
	s1 =	sshrl.u32 s1, $0x2  }
0xbb: {  	s3 =	sand.u32 $0x4000, s31;
	s1 =	sadd.s32 s1, s30  }
0xbc: {  	s0 =	sor.u32 s3, s0;
	s1 =	sshll.u32 s1, $0x11  }
0xbd: {  	s0 =	sor.u32 s1, s0  }
0xbe: {  	s0 =	sadd.s32 $0x8F2B, s0  }
0xbf: {  	[sflag:s0] =	ssyncadd.remote.s32 $0x1  }
0xc0: {  	_ =	sfence.sel $0xFFFF  }
0xc1: {  	[dreg:$0x0] =	wrdreg $0xFFFFFFFF;
	(pc) =	sbr.abs _section_cstart, $3  }
0xc2: {  	[dreg:$0x1] =	wrdreg $0xFFFFFFFF  }
0xc3: {  	_ =	task.clear_ibuf [dreg:s7], $0x2FFFF;
	_ =	strace $0x9FFFFFFF  }
0xc4: {  	(tm) =	ssettm $0x7FFFFFFF  }
0xc5: {  	_ =	shalt  }
tec
execute0_lowered:
.L_overlay_start_1:
0x0: {  	(tag) =	ssettag $0x1  }
0x1: {  	s0 =	rddreg [dreg:$0x0]  }
0x2: {  	s1 =	rddreg [dreg:$0x1]  }
0x3: {  	s2 =	rddreg [dreg:$0x2]  }
0x4: {  	s11 =	rddreg [dreg:$0x3];
	s10 =	stileid.u32  }
0x5: {  	s3 =	srdreg.scid;
	s5 =	smul.u32 $0x4E20, s10  }
0x6: {  	s12 =	simm.s32 $0x0;
	s3 =	sand.u32 $0x1, s3;
	s7 =	smul.u32 $0xA000, s10  }
0x7: {  	[smem:$0x7FF] =	sst s12;
	s10 =	smul.u32 $0x280, s10;
	s6 =	ssub.s32 $0x2, s3  }
0x8: {  	s4 =	smul.u32 $0x9C4, s3;
	_ =	strace $0x80000047;
	s9 =	sshrl.u32 s6, $0x1  }
0x9: {  	s7 =	sshrl.u32 s7, $0x2;
	s29 =	sadd.s32 s10, s11;
	s6 =	ssub.s32 s6, s9  }
0xa: {  	s9 =	sadd.s32 s10, s2;
	s2 =	sadd.s32 s7, s2;
	[smem:$0x7FB] =	sst s29  }
0xb: {  	s5 =	sshrl.u32 s5, $0x3;
	s4 =	sadd.s32 s4, s0;
	[dreg:$0x11] =	wrdreg s2  }
0xc: {  	s8 =	sadd.s32 s5, s0;
	s4 =	sadd.s32 $0x1600, s4;
	[dreg:$0xf] =	wrdreg s9  }
0xd: {  	s31 =	sadd.s32 $0x2A00, s8;
	[dreg:$0xd] =	wrdreg s4  }
0xe: {  	s8 =	sadd.s32 $0xC640, s8;
	[dreg:$0xe] =	wrdreg s31  }
0xf: {  	s13 =	sadd.s32 $0x2800, s9;
	[dreg:$0x10] =	wrdreg s8  }
0x10: {  	s14 =	sadd.s32 $0x5000, s9;
	[dreg:$0x12] =	wrdreg s13  }
0x11: {  	s15 =	sadd.s32 $0x7800, s9;
	[dreg:$0x13] =	wrdreg s14  }
0x12: {  	s16 =	sadd.s32 $0xA000, s9;
	[dreg:$0x14] =	wrdreg s15  }
0x13: {  	s17 =	sadd.s32 $0xC800, s9;
	[dreg:$0x15] =	wrdreg s16  }
0x14: {  	s18 =	sadd.s32 $0xF000, s9;
	[dreg:$0x16] =	wrdreg s17  }
0x15: {  	s19 =	sadd.s32 $0x11800, s9;
	[dreg:$0x17] =	wrdreg s18  }
0x16: {  	s20 =	sadd.s32 $0x14000, s9;
	[dreg:$0x18] =	wrdreg s19  }
0x17: {  	s21 =	sadd.s32 $0x16800, s9;
	[dreg:$0x19] =	wrdreg s20  }
0x18: {  	s22 =	sadd.s32 $0x19000, s9;
	[dreg:$0x1a] =	wrdreg s21  }
0x19: {  	s23 =	sadd.s32 $0x1B800, s9;
	[dreg:$0x1b] =	wrdreg s22  }
0x1a: {  	s24 =	sadd.s32 $0x1E000, s9;
	[dreg:$0x1c] =	wrdreg s23  }
0x1b: {  	p0 =	seq.s32 s3, $0x1;
	s25 =	sadd.s32 $0x20800, s9;
	[dreg:$0x1d] =	wrdreg s24  }
0x1c: {  	s0 =	sadd.s32 $0x16400, s0;
	s28 =	sadd.s32 $0x23000, s9;
	[dreg:$0x1e] =	wrdreg s25  }
0x1d: {  	s1 =	smov.u32 @p0 s0;
	s30 =	smax.u32 s6, $0x1;
	[smem:$0x7FA] =	sst s28  }
0x1e: {  	s3 =	simm.s32 $0x13A00;
	s26 =	sadd.s32 s1, s5;
	[smem:$0x7FC] =	sst s30  }
0x1f: {  	s2 =	simm.s32 $0x1;
	s31 =	sadd.s32 $0x25800, s9;
	[dreg:$0x1f] =	wrdreg s26  }
0x20: {  	v0 =	vimm.f32 $0.0e+00;
	s6 =	simm.s32 $0x4;
	s1 =	simm.s32 $0x0;
	[smem:$0x7FD] =	sst s31  }
.LBB2_1:
0x21: {  	[smem:$0x7F9] =	sst s1  }
0x22: {  	s0 =	rddreg [dreg:$0xd]  }
0x23: {  	[tilespmem:s12], [sflag:$0x1] =	stream.linear.gather [hbm4b:s0+s12], $0x4E20, $0x38;
	[tilespmem:$0x18C80] =	vst v63  }
0x24: {  	s28 =	rddreg [dreg:$0xe];
	s29 =	simm.s32 $0x4E80  }
0x25: {  	[tilespmem:s29], [sflag:$0x2] =	stream.linear.gather [hbm4b:s28+s12], $0x4E20, $0x38;
	[tilespmem:$0x18C80] =	vst v63  }
0x26: {  	s30 =	rddreg [dreg:$0x10];
	s31 =	simm.s32 $0x9D00;
	s0 =	simm.s32 $0x13A40  }
0x27: {  	[tilespmem:s31], [sflag:$0x3] =	stream.linear.gather [hbm4b:s30+s12], $0x4E20, $0x38;
	[tilespmem:$0x18C80] =	vst v63  }
0x28: {  	[tilespmem:s0+$0xFFFFFFC0] =	vst v0  }
0x29: {  	[tilespmem:s0+$0x30] =	vst v0  }
0x2a: {  	[tilespmem:s0+$0x20] =	vst v0  }
0x2b: {  	[tilespmem:s0+$0x10] =	vst v0  }
0x2c: {  	[tilespmem:s0+$0x0] =	vst v0  }
0x2d: {  	[tilespmem:s0+$0xFFFFFFF0] =	vst v0  }
0x2e: {  	s1 =	simm.s32 $0x0;
	[tilespmem:s0+$0xFFFFFFE0] =	vst v0  }
.LBB2_2:
0x2f: {  	s1 =	sadd.s32 $0x8, s1;
	[tilespmem:s0+$0xFFFFFFD0] =	vst v0;
	s0 =	sadd.s32 $0x80, s0  }
0x30: {  	[tilespmem:s0+$0xFFFFFFC0] =	vst v0;
	p0 =	slt.u32 s1, $0x278  }
0x31: {  	[tilespmem:s0+$0x30] =	vst v0  }
.Ltmp0:
0x32: {  	[tilespmem:s0+$0x20] =	vst v0;
	(pc) =	sbr.rel @p0 .LBB2_2-.Ltmp0, $4  }
0x33: {  	[tilespmem:s0+$0x10] =	vst v0  }
0x34: {  	[tilespmem:s0+$0x0] =	vst v0  }
0x35: {  	[tilespmem:s0+$0xFFFFFFF0] =	vst v0  }
0x36: {  	[tilespmem:s0+$0xFFFFFFE0] =	vst v0  }
0x37: {  	[tilespmem:s0+$0xFFFFFFD0] =	vst v0  }
0x38: {  	_ =	swait.ge [sflag:s2], $0x4E20  }
0x39: {  	[sflag:s2] =	ssyncset.done $0x0  }
0x3a: {  	s29 =	simm.s32 $0x2;
	[sflag:s2] =	ssyncadd.s32 $0xFFFFB1E0  }
0x3b: {  	_ =	swait.ge [sflag:s29], $0x4E20  }
0x3c: {  	[sflag:s29] =	ssyncset.done $0x0  }
0x3d: {  	s30 =	simm.s32 $0x3;
	[sflag:s29] =	ssyncadd.s32 $0xFFFFB1E0  }
0x3e: {  	_ =	swait.ge [sflag:s30], $0x4E20  }
0x3f: {  	[sflag:s30] =	ssyncset.done $0x0  }
0x40: {  	s31 =	simm.s32 $0x9D40;
	[sflag:s30] =	ssyncadd.s32 $0xFFFFB1E0  }
0x41: {  	s7 =	simm.s32 $0x4EC0;
	v6 =	vld [tilespmem:s31+$0x30]  }
0x42: {  	v8 =	vld [tilespmem:s7+$0x20]  }
0x43: {  	v3 =	vld [tilespmem:s7+$0xFFFFFFC0]  }
0x44: {  	v5 =	vld [tilespmem:s7+$0xFFFFFFF0]  }
0x45: {  	v2 =	vld [tilespmem:s7+$0xFFFFFFD0]  }
0x46: {  	v7 =	vld [tilespmem:s7+$0x30]  }
0x47: {  	v9 =	vld [tilespmem:s31+$0x20]  }
0x48: {  	v10 =	vld [tilespmem:s31+$0xFFFFFFC0]  }
0x49: {  	v1 =	vld [tilespmem:s7+$0xFFFFFFE0]  }
0x4a: {  	v12 =	vld [tilespmem:s31+$0x0]  }
0x4b: {  	v4 =	vld [tilespmem:s7+$0x0]  }
0x4c: {  	v13 =	vld [tilespmem:s31+$0xFFFFFFF0]  }
0x4d: {  	v14 =	vld [tilespmem:s31+$0xFFFFFFD0]  }
0x4e: {  	v17 =	vld [tilespmem:s31+$0x10]  }
0x4f: {  	v18 =	vld [tilespmem:s31+$0xFFFFFFE0]  }
0x50: {  	s4 =	simm.s32 $0x0;
	v11 =	vadd.s32 $0x2710, v6;
	v6 =	vld [tilespmem:s7+$0x10]  }
0x51: {  	v19 =	vld.idx.msk [tilespmem:v8+s4+$0x0], $0xffff  }
0x52: {  	v15 =	vadd.s32 $0x2710, v10;
	v10 =	vld.idx.msk [tilespmem:v7+s4+$0x0], $0xffff  }
0x53: {  	v13 =	vadd.s32 $0x2710, v13;
	v16 =	vld.idx.msk [tilespmem:v3+s4+$0x0], $0xffff  }
0x54: {  	v22 =	vld.idx.msk [tilespmem:v5+s4+$0x0], $0xffff  }
0x55: {  	v20 =	vadd.s32 $0x2710, v9;
	v9 =	vld.idx.msk [tilespmem:v1+s4+$0x0], $0xffff  }
0x56: {  	v23 =	vadd.s32 $0x2710, v17;
	v11 =	vld.idx.msk [tilespmem:v11+s4+$0x0], $0xffff  }
0x57: {  	v15 =	vld.idx.msk [tilespmem:v15+s4+$0x0], $0xffff  }
0x58: {  	v21 =	vld.idx.msk [tilespmem:v13+s4+$0x0], $0xffff;
	v13 =	vadd.s32 $0x2710, v12  }
0x59: {  	v24 =	vadd.s32 $0x2710, v14;
	v12 =	vld.idx.msk [tilespmem:v4+s4+$0x0], $0xffff  }
0x5a: {  	v20 =	vld.idx.msk [tilespmem:v20+s4+$0x0], $0xffff  }
0x5b: {  	v25 =	vadd.s32 $0x2710, v18;
	v18 =	vld.idx.msk [tilespmem:v23+s4+$0x0], $0xffff  }
0x5c: {  	v14 =	vld.idx.msk [tilespmem:v6+s4+$0x0], $0xffff  }
0x5d: {  	v17 =	vld.idx.msk [tilespmem:v13+s4+$0x0], $0xffff;
	v13 =	vadd.f32 v15, v16  }
0x5e: {  	v15 =	vld.idx.msk [tilespmem:v24+s4+$0x0], $0xffff  }
0x5f: {  	s8 =	simm.s32 $0xEBC0;
	v16 =	vld.idx.msk [tilespmem:v2+s4+$0x0], $0xffff;
	v13 =	vmax.f32 v13, $0.0e+00  }
0x60: {  	s9 =	simm.s32 $0x0;
	s10 =	simm.s32 $0x9DC0;
	s5 =	simm.s32 $0xEBC0;
	v19 =	vadd.f32 v20, v19;
	v21 =	vadd.f32 v21, v22;
	v20 =	vmin.f32 v13, $8.000000000e+01;
	v13 =	vld.idx.msk [tilespmem:v25+s4+$0x0], $0xffff  }
.LBB2_4:
0x61: {  	v22 =	vld [tilespmem:s10+$0x30];
	s9 =	sadd.s32 $0x8, s9;
	v20 =	vmul.f32 $1.442695020e+00, v20;
	s7 =	sadd.s32 $0x80, s7;
	s8 =	sadd.s32 $0x80, s8  }
0x62: {  	v14 =	vadd.f32 v18, v14;
	v10 =	vadd.f32 v11, v10;
	v23 =	vld [tilespmem:s7+$0x20];
	p0 =	slt.u32 s9, $0x4D8;
	v21 =	vmax.f32 v21, $0.0e+00  }
0x63: {  	v18 =	vld [tilespmem:s7+$0xFFFFFFC0];
	v11 =	vmin.f32 v21, $8.000000000e+01  }
0x64: {  	v12 =	vadd.f32 v17, v12;
	v14 =	vmax.f32 v14, $0.0e+00;
	v21 =	vld [tilespmem:s7+$0xFFFFFFF0];
	v11 =	vmul.f32 $1.442695020e+00, v11  }
0x65: {  	v19 =	vmax.f32 v19, $0.0e+00;
	v10 =	vmax.f32 v10, $0.0e+00;
	v14 =	vmin.f32 v14, $8.000000000e+01;
	v17 =	vld [tilespmem:s7+$0xFFFFFFD0]  }
0x66: {  	v19 =	vmin.f32 v19, $8.000000000e+01;
	v10 =	vmin.f32 v10, $8.000000000e+01;
	v24 =	vld [tilespmem:s7+$0x30];
	(erf) = vpow2.f32 v11  }
0x67: {  	v10 =	vmul.f32 $1.442695020e+00, v10;
	v11 =	vmax.f32 v12, $0.0e+00;
	v12 =	vmul.f32 $1.442695020e+00, v19;
	v25 =	vld [tilespmem:s10+$0x20]  }
0x68: {  	v15 =	vadd.f32 v15, v16;
	v14 =	vmul.f32 $1.442695020e+00, v14;
	v11 =	vmin.f32 v11, $8.000000000e+01;
	v19 =	vld [tilespmem:s10+$0xFFFFFFC0]  }
0x69: {  	v22 =	vadd.s32 $0x2710, v22;
	v26 =	vmul.f32 $1.442695020e+00, v11;
	v16 =	vld [tilespmem:s7+$0xFFFFFFE0];
	(erf) = vpow2.f32 v12  }
0x6a: {  	v11 =	vmax.f32 v15, $0.0e+00;
	v12 =	vld [tilespmem:s10+$0x0]  }
0x6b: {  	v11 =	vmin.f32 v11, $8.000000000e+01;
	v15 =	vld [tilespmem:s7+$0x0];
	(erf) = vpow2.f32 v10  }
0x6c: {  	v28 =	vmul.f32 $1.442695020e+00, v11;
	v27 =	vld.idx.msk [tilespmem:v23+s4+$0x0], $0xffff  }
0x6d: {  	v19 =	vadd.s32 $0x2710, v19;
	v29 =	vld [tilespmem:s10+$0xFFFFFFF0]  }
0x6e: {  	v9 =	vadd.f32 v13, v9;
	v30 =	vld [tilespmem:s10+$0xFFFFFFD0]  }
0x6f: {  	v10 =	vld.idx.msk [tilespmem:v24+s4+$0x0], $0xffff;
	v13 =	vpop (erf)  }
0x70: {  	v9 =	vmax.f32 v9, $0.0e+00;
	v31 =	vld [tilespmem:s7+$0x10];
	[tilespmem:s5+$0xFFFFFFF0] =	vst v13  }
0x71: {  	v9 =	vmin.f32 v9, $8.000000000e+01;
	v11 =	vld.idx.msk [tilespmem:v22+s4+$0x0], $0xffff;
	(erf) = vpow2.f32 v20  }
0x72: {  	v20 =	vld.idx.msk [tilespmem:v18+s4+$0x0], $0xffff;
	v22 =	vadd.s32 $0x2710, v29;
	v29 =	vmul.f32 $1.442695020e+00, v9;
	(erf) = vpow2.f32 v26;
	v26 =	vpop (erf)  }
0x73: {  	v19 =	vld.idx.msk [tilespmem:v19+s4+$0x0], $0xffff;
	[tilespmem:s5+$0x20] =	vst v26;
	(erf) = vpow2.f32 v28  }
0x74: {  	v25 =	vadd.s32 $0x2710, v25;
	[tilespmem:v8+s3+$0x0] =	vst.idx.add.f32.msk $0xffff, v26;
	(erf) = vpow2.f32 v29;
	v9 =	vpop (erf);
	v8 =	vmov v23  }
0x75: {  	v23 =	vld [tilespmem:s10+$0x10];
	[tilespmem:s5+$0x30] =	vst v9  }
0x76: {  	[tilespmem:v5+s3+$0x0] =	vst.idx.add.f32.msk $0xffff, v13;
	v5 =	vmov v21  }
0x77: {  	v13 =	vadd.s32 $0x2710, v12;
	[tilespmem:v7+s3+$0x0] =	vst.idx.add.f32.msk $0xffff, v9;
	v7 =	vmov v24  }
0x78: {  	v21 =	vld [tilespmem:s10+$0xFFFFFFE0];
	(erf) = vpow2.f32 v14  }
0x79: {  	v22 =	vld.idx.msk [tilespmem:v22+s4+$0x0], $0xffff  }
0x7a: {  	v24 =	vadd.s32 $0x2710, v30;
	v12 =	vld.idx.msk [tilespmem:v15+s4+$0x0], $0xffff;
	v14 =	vpop (erf)  }
0x7b: {  	v26 =	vld.idx.msk [tilespmem:v5+s4+$0x0], $0xffff;
	[tilespmem:s5+$0xFFFFFFC0] =	vst v14;
	v28 =	vpop (erf)  }
0x7c: {  	v9 =	vld.idx.msk [tilespmem:v16+s4+$0x0], $0xffff;
	[tilespmem:s5+$0x0] =	vst v28;
	v29 =	vpop (erf)  }
0x7d: {  	v23 =	vadd.s32 $0x2710, v23;
	[tilespmem:v3+s3+$0x0] =	vst.idx.add.f32.msk $0xffff, v14;
	v30 =	vpop (erf);
	v3 =	vmov v18  }
0x7e: {  	v21 =	vadd.s32 $0x2710, v21;
	v14 =	vld.idx.msk [tilespmem:v31+s4+$0x0], $0xffff;
	[tilespmem:s5+$0xFFFFFFD0] =	vst v29  }
0x7f: {  	[tilespmem:v4+s3+$0x0] =	vst.idx.add.f32.msk $0xffff, v28;
	v4 =	vmov v15  }
0x80: {  	[tilespmem:v2+s3+$0x0] =	vst.idx.add.f32.msk $0xffff, v29;
	v2 =	vmov v17  }
0x81: {  	v25 =	vld.idx.msk [tilespmem:v25+s4+$0x0], $0xffff;
	[tilespmem:s5+$0xFFFFFFE0] =	vst v30;
	v15 =	vpop (erf)  }
0x82: {  	v17 =	vld.idx.msk [tilespmem:v13+s4+$0x0], $0xffff;
	[tilespmem:s5+$0x10] =	vst v15;
	s5 =	smov.u32 s8  }
0x83: {  	[tilespmem:v6+s3+$0x0] =	vst.idx.add.f32.msk $0xffff, v15;
	v6 =	vmov v31  }
.Ltmp1:
0x84: {  	v13 =	vadd.f32 v19, v20;
	v18 =	vld.idx.msk [tilespmem:v23+s4+$0x0], $0xffff;
	(pc) =	sbr.rel @p0 .LBB2_4-.Ltmp1, $4  }
0x85: {  	[tilespmem:v1+s3+$0x0] =	vst.idx.add.f32.msk $0xffff, v30;
	v1 =	vmov v16  }
0x86: {  	v15 =	vld.idx.msk [tilespmem:v24+s4+$0x0], $0xffff  }
0x87: {  	v13 =	vmax.f32 v13, $0.0e+00;
	v19 =	vadd.f32 v25, v27;
	v16 =	vld.idx.msk [tilespmem:v2+s4+$0x0], $0xffff  }
0x88: {  	s10 =	sadd.s32 $0x80, s10;
	v20 =	vmin.f32 v13, $8.000000000e+01;
	v13 =	vld.idx.msk [tilespmem:v21+s4+$0x0], $0xffff;
	v21 =	vadd.f32 v22, v26  }
0x89: {  	_ = 	snop  }
0x8a: {  	v21 =	vmax.f32 v21, $0.0e+00  }
0x8b: {  	v19 =	vmax.f32 v19, $0.0e+00;
	v53 =	vmin.f32 v21, $8.000000000e+01  }
0x8c: {  	v10 =	vadd.f32 v11, v10;
	v19 =	vmin.f32 v19, $8.000000000e+01;
	v11 =	vmul.f32 $1.442695020e+00, v53  }
0x8d: {  	v19 =	vmul.f32 $1.442695020e+00, v19  }
0x8e: {  	v10 =	vmax.f32 v10, $0.0e+00;
	(erf) = vpow2.f32 v11  }
0x8f: {  	v54 =	vadd.f32 v17, v12;
	v10 =	vmin.f32 v10, $8.000000000e+01;
	(erf) = vpow2.f32 v19  }
0x90: {  	v10 =	vmul.f32 $1.442695020e+00, v10  }
0x91: {  	v56 =	vmul.f32 $1.442695020e+00, v20;
	v11 =	vmax.f32 v54, $0.0e+00  }
0x92: {  	v55 =	vadd.f32 v15, v16;
	v11 =	vmin.f32 v11, $8.000000000e+01;
	(erf) = vpow2.f32 v10  }
0x93: {  	v11 =	vmul.f32 $1.442695020e+00, v11  }
0x94: {  	v9 =	vadd.f32 v13, v9;
	v12 =	vmax.f32 v55, $0.0e+00;
	(erf) = vpow2.f32 v56  }
0x95: {  	v57 =	vadd.f32 v18, v14;
	v12 =	vmin.f32 v12, $8.000000000e+01;
	(erf) = vpow2.f32 v11  }
0x96: {  	v9 =	vmax.f32 v9, $0.0e+00;
	v12 =	vmul.f32 $1.442695020e+00, v12  }
0x97: {  	v10 =	vmax.f32 v57, $0.0e+00;
	v9 =	vmin.f32 v9, $8.000000000e+01;
	v58 =	vpop (erf)  }
0x98: {  	v10 =	vmin.f32 v10, $8.000000000e+01;
	v9 =	vmul.f32 $1.442695020e+00, v9;
	(erf) = vpow2.f32 v12;
	[tilespmem:s5+$0xFFFFFFF0] =	vst v58;
	v59 =	vpop (erf)  }
0x99: {  	v10 =	vmul.f32 $1.442695020e+00, v10;
	[tilespmem:s5+$0x20] =	vst v59  }
0x9a: {  	(erf) = vpow2.f32 v9;
	[tilespmem:v5+s3+$0x0] =	vst.idx.add.f32.msk $0xffff, v58  }
0x9b: {  	v60 =	vpop (erf);
	(erf) = vpow2.f32 v10;
	[tilespmem:v8+s3+$0x0] =	vst.idx.add.f32.msk $0xffff, v59  }
0x9c: {  	[tilespmem:s5+$0x30] =	vst v60  }
0x9d: {  	v61 =	vpop (erf);
	[tilespmem:v7+s3+$0x0] =	vst.idx.add.f32.msk $0xffff, v60  }
0x9e: {  	[tilespmem:s5+$0xFFFFFFC0] =	vst v61;
	v62 =	vpop (erf)  }
0x9f: {  	[tilespmem:s5+$0x0] =	vst v62  }
0xa0: {  	[tilespmem:v3+s3+$0x0] =	vst.idx.add.f32.msk $0xffff, v61  }
0xa1: {  	[tilespmem:v4+s3+$0x0] =	vst.idx.add.f32.msk $0xffff, v62;
	v63 =	vpop (erf)  }
0xa2: {  	[tilespmem:s5+$0xFFFFFFD0] =	vst v63  }
0xa3: {  	v3 =	vpop (erf);
	[tilespmem:v2+s3+$0x0] =	vst.idx.add.f32.msk $0xffff, v63  }
0xa4: {  	[tilespmem:s5+$0xFFFFFFE0] =	vst v3;
	v2 =	vpop (erf)  }
0xa5: {  	[tilespmem:s5+$0x10] =	vst v2  }
0xa6: {  	[tilespmem:v1+s3+$0x0] =	vst.idx.add.f32.msk $0xffff, v3  }
0xa7: {  	[tilespmem:v6+s3+$0x0] =	vst.idx.add.f32.msk $0xffff, v2  }
.LBB2_6:
0xa8: {  	s0 =	sshra.s32 s4, $0x2  }
0xa9: {  	v1 =	vld [tilespmem:s0+$0xEB00]  }
0xaa: {  	v2 =	vld [tilespmem:s0+$0x9C80];
	_ =	sdelay $0x3  }
0xab: {  	v1 =	vadd.s32 $0x2710, v1;
	_ =	sdelay $0x3  }
0xac: {  	v3 =	vld.idx.msk [tilespmem:v2+s12+$0x0], $0xffff  }
0xad: {  	v1 =	vld.idx.msk [tilespmem:v1+s12+$0x0], $0xffff;
	_ =	sdelay $0x4  }
0xae: {  	v1 =	vadd.f32 v1, v3;
	_ =	sdelay $0x1  }
0xaf: {  	v1 =	vmax.f32 v1, $0.0e+00  }
0xb0: {  	v1 =	vmin.f32 v1, $8.000000000e+01  }
0xb1: {  	v1 =	vmul.f32 $1.442695020e+00, v1;
	_ =	sdelay $0x1  }
0xb2: {  	(erf) = vpow2.f32 v1;
	_ =	sdelay $0x5  }
0xb3: {  	p0 =	sne.s32 s4, $0x40  }
.Ltmp2:
0xb4: {  	_ = 	snop;
	(pc) =	sbr.rel @p0 .LBB2_6-.Ltmp2, $4  }
0xb5: {  	_ = 	snop  }
0xb6: {  	v1 =	vpop (erf)  }
0xb7: {  	[tilespmem:s0+$0x13980] =	vst v1  }
0xb8: {  	s4 =	sadd.s32 $0x40, s4;
	[tilespmem:v2+s3+$0x0] =	vst.idx.add.f32.msk $0xffff, v1  }
0xb9: {  	s0 =	rddreg [dreg:$0x11]  }
0xba: {  	[spmem:s0] =	stream.linear.scatter [tilespmem:s3], [sflag:$0x4], $0x2800, $0x38;
	[tilespmem:$0x18C80] =	vst v63  }
0xbb: {  	_ =	swait.ge [sflag:s6], $0x2800  }
0xbc: {  	[sflag:s6] =	ssyncset.done $0x0  }
0xbd: {  	[sflag:s6] =	ssyncadd.s32 $0xFFFFD800  }
0xbe: {  	[bflag:$0x0] =	sbarrier.arrive $0xFFFF  }
0xbf: {  	s8 =	rddreg [dreg:$0xf]  }
0xc0: {  	s9 =	rddreg [dreg:$0x12]  }
0xc1: {  	[tilespmem:s12], [sflag:$0x1] =	stream.linear.gather [spmem:s8], $0x280, $0x38;
	[tilespmem:$0x18C80] =	vst v63  }
0xc2: {  	s1 =	simm.s32 $0x280;
	s10 =	rddreg [dreg:$0x13]  }
0xc3: {  	[tilespmem:s1], [sflag:$0x1] =	stream.linear.gather [spmem:s9], $0x280, $0x38;
	[tilespmem:$0x18C80] =	vst v63  }
0xc4: {  	s11 =	simm.s32 $0x500;
	s14 =	rddreg [dreg:$0x15]  }
0xc5: {  	[tilespmem:s11], [sflag:$0x1] =	stream.linear.gather [spmem:s10], $0x280, $0x38;
	[tilespmem:$0x18C80] =	vst v63  }
0xc6: {  	s13 =	simm.s32 $0x780;
	s12 =	rddreg [dreg:$0x14]  }
0xc7: {  	[tilespmem:s13], [sflag:$0x1] =	stream.linear.gather [spmem:s12], $0x280, $0x38;
	[tilespmem:$0x18C80] =	vst v63  }
0xc8: {  	s15 =	simm.s32 $0xA00;
	s16 =	rddreg [dreg:$0x16]  }
0xc9: {  	[tilespmem:s15], [sflag:$0x1] =	stream.linear.gather [spmem:s14], $0x280, $0x38;
	[tilespmem:$0x18C80] =	vst v63  }
0xca: {  	s17 =	simm.s32 $0xC80;
	s18 =	rddreg [dreg:$0x17]  }
0xcb: {  	[tilespmem:s17], [sflag:$0x1] =	stream.linear.gather [spmem:s16], $0x280, $0x38;
	[tilespmem:$0x18C80] =	vst v63  }
0xcc: {  	s19 =	simm.s32 $0xF00;
	s20 =	rddreg [dreg:$0x18]  }
0xcd: {  	[tilespmem:s19], [sflag:$0x1] =	stream.linear.gather [spmem:s18], $0x280, $0x38;
	[tilespmem:$0x18C80] =	vst v63  }
0xce: {  	s21 =	simm.s32 $0x1180;
	s22 =	rddreg [dreg:$0x19]  }
0xcf: {  	[tilespmem:s21], [sflag:$0x1] =	stream.linear.gather [spmem:s20], $0x280, $0x38;
	[tilespmem:$0x18C80] =	vst v63  }
0xd0: {  	s23 =	simm.s32 $0x1400;
	s24 =	rddreg [dreg:$0x1a]  }
0xd1: {  	[tilespmem:s23], [sflag:$0x1] =	stream.linear.gather [spmem:s22], $0x280, $0x38;
	[tilespmem:$0x18C80] =	vst v63  }
0xd2: {  	s25 =	simm.s32 $0x1680;
	s26 =	rddreg [dreg:$0x1b]  }
0xd3: {  	[tilespmem:s25], [sflag:$0x1] =	stream.linear.gather [spmem:s24], $0x280, $0x38;
	[tilespmem:$0x18C80] =	vst v63  }
0xd4: {  	s29 =	simm.s32 $0x1900;
	s30 =	rddreg [dreg:$0x1c]  }
0xd5: {  	[tilespmem:s29], [sflag:$0x1] =	stream.linear.gather [spmem:s26], $0x280, $0x38;
	[tilespmem:$0x18C80] =	vst v63  }
0xd6: {  	s31 =	simm.s32 $0x1B80;
	s3 =	rddreg [dreg:$0x1d]  }
0xd7: {  	[tilespmem:s31], [sflag:$0x1] =	stream.linear.gather [spmem:s30], $0x280, $0x38;
	[tilespmem:$0x18C80] =	vst v63  }
0xd8: {  	s4 =	simm.s32 $0x1E00;
	s5 =	rddreg [dreg:$0x1e]  }
0xd9: {  	[tilespmem:s4], [sflag:$0x1] =	stream.linear.gather [spmem:s3], $0x280, $0x38;
	[tilespmem:$0x18C80] =	vst v63  }
0xda: {  	s6 =	simm.s32 $0x2080;
	s7 =	sld [smem:$0x7FA]  }
0xdb: {  	[tilespmem:s6], [sflag:$0x1] =	stream.linear.gather [spmem:s5], $0x280, $0x38;
	[tilespmem:$0x18C80] =	vst v63  }
0xdc: {  	s8 =	simm.s32 $0x2300;
	s9 =	sld [smem:$0x7FD]  }
0xdd: {  	[tilespmem:s8], [sflag:$0x1] =	stream.linear.gather [spmem:s7], $0x280, $0x38;
	[tilespmem:$0x18C80] =	vst v63  }
0xde: {  	s8 =	simm.s32 $0x2580  }
0xdf: {  	[tilespmem:s8], [sflag:$0x1] =	stream.linear.gather [spmem:s9], $0x280, $0x38;
	[tilespmem:$0x18C80] =	vst v63  }
0xe0: {  	_ =	swait.ge [sflag:s2], $0x280  }
0xe1: {  	[sflag:s2] =	ssyncset.done $0x0  }
0xe2: {  	[sflag:s2] =	ssyncadd.s32 $0xFFFFFD80  }
0xe3: {  	_ =	swait.ge [sflag:s2], $0x280  }
0xe4: {  	[sflag:s2] =	ssyncset.done $0x0  }
0xe5: {  	[sflag:s2] =	ssyncadd.s32 $0xFFFFFD80  }
0xe6: {  	_ =	swait.ge [sflag:s2], $0x280  }
0xe7: {  	[sflag:s2] =	ssyncset.done $0x0  }
0xe8: {  	[sflag:s2] =	ssyncadd.s32 $0xFFFFFD80  }
0xe9: {  	_ =	swait.ge [sflag:s2], $0x280  }
0xea: {  	[sflag:s2] =	ssyncset.done $0x0  }
0xeb: {  	[sflag:s2] =	ssyncadd.s32 $0xFFFFFD80  }
0xec: {  	_ =	swait.ge [sflag:s2], $0x280  }
0xed: {  	[sflag:s2] =	ssyncset.done $0x0  }
0xee: {  	[sflag:s2] =	ssyncadd.s32 $0xFFFFFD80  }
0xef: {  	_ =	swait.ge [sflag:s2], $0x280  }
0xf0: {  	[sflag:s2] =	ssyncset.done $0x0  }
0xf1: {  	[sflag:s2] =	ssyncadd.s32 $0xFFFFFD80  }
0xf2: {  	_ =	swait.ge [sflag:s2], $0x280  }
0xf3: {  	[sflag:s2] =	ssyncset.done $0x0  }
0xf4: {  	[sflag:s2] =	ssyncadd.s32 $0xFFFFFD80  }
0xf5: {  	_ =	swait.ge [sflag:s2], $0x280  }
0xf6: {  	[sflag:s2] =	ssyncset.done $0x0  }
0xf7: {  	[sflag:s2] =	ssyncadd.s32 $0xFFFFFD80  }
0xf8: {  	_ =	swait.ge [sflag:s2], $0x280  }
0xf9: {  	[sflag:s2] =	ssyncset.done $0x0  }
0xfa: {  	[sflag:s2] =	ssyncadd.s32 $0xFFFFFD80  }
0xfb: {  	_ =	swait.ge [sflag:s2], $0x280  }
0xfc: {  	[sflag:s2] =	ssyncset.done $0x0  }
0xfd: {  	[sflag:s2] =	ssyncadd.s32 $0xFFFFFD80  }
0xfe: {  	_ =	swait.ge [sflag:s2], $0x280  }
0xff: {  	[sflag:s2] =	ssyncset.done $0x0  }
0x100: {  	[sflag:s2] =	ssyncadd.s32 $0xFFFFFD80  }
0x101: {  	_ =	swait.ge [sflag:s2], $0x280  }
0x102: {  	[sflag:s2] =	ssyncset.done $0x0  }
0x103: {  	[sflag:s2] =	ssyncadd.s32 $0xFFFFFD80  }
0x104: {  	_ =	swait.ge [sflag:s2], $0x280  }
0x105: {  	[sflag:s2] =	ssyncset.done $0x0  }
0x106: {  	[sflag:s2] =	ssyncadd.s32 $0xFFFFFD80  }
0x107: {  	_ =	swait.ge [sflag:s2], $0x280  }
0x108: {  	[sflag:s2] =	ssyncset.done $0x0  }
0x109: {  	[sflag:s2] =	ssyncadd.s32 $0xFFFFFD80  }
0x10a: {  	_ =	swait.ge [sflag:s2], $0x280  }
0x10b: {  	[sflag:s2] =	ssyncset.done $0x0  }
0x10c: {  	[sflag:s2] =	ssyncadd.s32 $0xFFFFFD80  }
0x10d: {  	_ =	swait.ge [sflag:s2], $0x280  }
0x10e: {  	[sflag:s2] =	ssyncset.done $0x0  }
0x10f: {  	s10 =	simm.s32 $0x20;
	[sflag:s2] =	ssyncadd.s32 $0xFFFFFD80  }
0x110: {  	s11 =	simm.s32 $0x280;
	s12 =	simm.s32 $0x30;
	v1 =	vld [tilespmem:s10+$0xFFFFFFE0]  }
0x111: {  	s13 =	sand.u32 $0x7F80, s11;
	s0 =	sand.u32 $0x70, s12;
	v2 =	vld [tilespmem:s10+$0xFFFFFFF0]  }
0x112: {  	s15 =	simm.s32 $0x500;
	s4 =	sor.u32 s13, s0;
	v3 =	vld [tilespmem:s10+$0x10]  }
0x113: {  	s16 =	simm.s32 $0x780;
	s6 =	sand.u32 $0x7F80, s15;
	v4 =	vld [tilespmem:s4+$0x0]  }
0x114: {  	s19 =	simm.s32 $0xA00;
	s18 =	sor.u32 s6, s0;
	s9 =	sand.u32 $0x7F80, s16;
	v5 =	vld [tilespmem:s10+$0x0]  }
0x115: {  	s20 =	simm.s32 $0xC80;
	s15 =	sand.u32 $0x7F80, s19;
	s2 =	sor.u32 s9, s0;
	v6 =	vld [tilespmem:s18+$0x0]  }
0x116: {  	s14 =	sand.u32 $0x7F80, s20;
	s5 =	simm.s32 $0x10;
	s21 =	sor.u32 s15, s0;
	v7 =	vld [tilespmem:s2+$0x0]  }
0x117: {  	s24 =	sor.u32 s14, s0;
	s5 =	sand.u32 $0x50, s5;
	v9 =	vld [tilespmem:s21+$0x0]  }
0x118: {  	s17 =	simm.s32 $0x0;
	s11 =	sor.u32 s6, s5;
	v11 =	vld [tilespmem:s24+$0x0]  }
0x119: {  	s4 =	sand.u32 $0x40, s17;
	s10 =	sor.u32 s13, s5;
	v16 =	vld [tilespmem:s11+$0x0]  }
0x11a: {  	s30 =	simm.s32 $0x1400;
	s7 =	sor.u32 s13, s4;
	v10 =	vld [tilespmem:s10+$0x0]  }
0x11b: {  	s2 =	sand.u32 $0x7F80, s30;
	s29 =	sor.u32 s6, s4;
	v8 =	vld [tilespmem:s7+$0x0]  }
0x11c: {  	s12 =	sor.u32 s2, s0;
	v14 =	vld [tilespmem:s29+$0x0]  }
0x11d: {  	s22 =	simm.s32 $0x20;
	s18 =	sor.u32 s9, s4;
	v17 =	vld [tilespmem:s12+$0x0]  }
0x11e: {  	s7 =	sand.u32 $0x60, s22;
	v20 =	vld [tilespmem:s18+$0x0];
	s18 =	sor.u32 s14, s5  }
0x11f: {  	s10 =	simm.s32 $0x1680;
	s3 =	sor.u32 s13, s7;
	v27 =	vld [tilespmem:s18+$0x0]  }
0x120: {  	s1 =	sand.u32 $0x7F80, s10;
	s6 =	sor.u32 s6, s7;
	v12 =	vld [tilespmem:s3+$0x0]  }
0x121: {  	s23 =	simm.s32 $0xF00;
	s19 =	simm.s32 $0x1B80;
	s17 =	sor.u32 s1, s0;
	v18 =	vld [tilespmem:s6+$0x0]  }
0x122: {  	s12 =	sand.u32 $0x7F80, s19;
	s13 =	sand.u32 $0x7F80, s23;
	s19 =	sor.u32 s14, s7;
	v19 =	vld [tilespmem:s17+$0x0]  }
0x123: {  	s16 =	simm.s32 $0x1900;
	s26 =	sor.u32 s13, s0;
	v54 =	vld [tilespmem:s19+$0x0];
	v3 =	vadd.f32 v4, v3  }
0x124: {  	s6 =	sand.u32 $0x7F80, s16;
	s16 =	sor.u32 s9, s5;
	v13 =	vld [tilespmem:s26+$0x0]  }
0x125: {  	s25 =	simm.s32 $0x1180;
	s9 =	sor.u32 s9, s7;
	v21 =	vld [tilespmem:s16+$0x0];
	v3 =	vadd.f32 v6, v3  }
0x126: {  	s3 =	sand.u32 $0x7F80, s25;
	s25 =	sor.u32 s15, s4;
	v22 =	vld [tilespmem:s9+$0x0]  }
0x127: {  	s21 =	simm.s32 $0x1E00;
	s17 =	sor.u32 s14, s4;
	v23 =	vld [tilespmem:s25+$0x0];
	v3 =	vadd.f32 v7, v3  }
0x128: {  	s11 =	sand.u32 $0x7F80, s21;
	s21 =	sor.u32 s13, s5;
	v53 =	vld [tilespmem:s17+$0x0]  }
0x129: {  	s23 =	simm.s32 $0x2080;
	s31 =	sor.u32 s3, s0;
	v55 =	vld [tilespmem:s21+$0x0];
	v3 =	vadd.f32 v9, v3  }
0x12a: {  	s10 =	sand.u32 $0x7F80, s23;
	s20 =	sor.u32 s6, s0;
	v15 =	vld [tilespmem:s31+$0x0]  }
0x12b: {  	s29 =	sor.u32 s10, s0;
	v4 =	vld [tilespmem:s20+$0x0];
	v3 =	vadd.f32 v11, v3  }
0x12c: {  	s14 =	sor.u32 s6, s5;
	v24 =	vld [tilespmem:s29+$0x0]  }
0x12d: {  	s22 =	sor.u32 s12, s0;
	v60 =	vld [tilespmem:s14+$0x0];
	v3 =	vadd.f32 v13, v3  }
0x12e: {  	s20 =	sor.u32 s13, s4;
	v6 =	vld [tilespmem:s22+$0x0]  }
0x12f: {  	s26 =	simm.s32 $0x2300;
	s23 =	sor.u32 s3, s4;
	v28 =	vld [tilespmem:s20+$0x0];
	v3 =	vadd.f32 v15, v3  }
0x130: {  	s9 =	sand.u32 $0x7F80, s26;
	s26 =	sor.u32 s2, s4;
	v1 =	vadd.f32 v8, v1;
	v8 =	vld [tilespmem:s23+$0x0]  }
0x131: {  	s8 =	sand.u32 $0x7F80, s8;
	s31 =	sor.u32 s9, s0;
	v57 =	vld [tilespmem:s26+$0x0];
	v3 =	vadd.f32 v17, v3  }
0x132: {  	s24 =	sor.u32 s11, s0;
	s0 =	sor.u32 s8, s0;
	v25 =	vld [tilespmem:s31+$0x0]  }
0x133: {  	v26 =	vld [tilespmem:s0+$0x0];
	v3 =	vadd.f32 v19, v3  }
0x134: {  	s30 =	sor.u32 s15, s5;
	v2 =	vadd.f32 v10, v2;
	v7 =	vld [tilespmem:s24+$0x0]  }
0x135: {  	s15 =	sor.u32 s15, s7;
	v5 =	vadd.f32 v12, v5;
	v9 =	vld [tilespmem:s30+$0x0];
	v3 =	vadd.f32 v4, v3  }
0x136: {  	s22 =	sor.u32 s13, s7;
	v2 =	vadd.f32 v16, v2;
	v1 =	vadd.f32 v14, v1;
	v11 =	vld [tilespmem:s15+$0x0]  }
0x137: {  	s13 =	sor.u32 s6, s4;
	v56 =	vld [tilespmem:s22+$0x0];
	v5 =	vadd.f32 v18, v5;
	v3 =	vadd.f32 v6, v3  }
0x138: {  	s31 =	sor.u32 s1, s4;
	v59 =	vld [tilespmem:s13+$0x0];
	v2 =	vadd.f32 v21, v2;
	v1 =	vadd.f32 v20, v1  }
0x139: {  	s24 =	sor.u32 s3, s5;
	v58 =	vld [tilespmem:s31+$0x0];
	v5 =	vadd.f32 v22, v5;
	v3 =	vadd.f32 v7, v3  }
0x13a: {  	v10 =	vld [tilespmem:s24+$0x0];
	s24 =	sor.u32 s10, s7;
	v1 =	vadd.f32 v23, v1;
	v2 =	vadd.f32 v9, v2  }
0x13b: {  	s25 =	sor.u32 s3, s7;
	v63 =	vld [tilespmem:s24+$0x0];
	v5 =	vadd.f32 v11, v5;
	v3 =	vadd.f32 v24, v3  }
0x13c: {  	s29 =	sor.u32 s2, s5;
	v1 =	vadd.f32 v53, v1;
	v2 =	vadd.f32 v27, v2;
	v4 =	vld [tilespmem:s25+$0x0]  }
0x13d: {  	s30 =	sor.u32 s2, s7;
	v5 =	vadd.f32 v54, v5;
	v6 =	vld [tilespmem:s29+$0x0];
	v3 =	vadd.f32 v25, v3  }
0x13e: {  	s2 =	sor.u32 s1, s5;
	v1 =	vadd.f32 v28, v1;
	v2 =	vadd.f32 v55, v2;
	v7 =	vld [tilespmem:s30+$0x0]  }
0x13f: {  	s3 =	sor.u32 s1, s7;
	v9 =	vld [tilespmem:s2+$0x0];
	v5 =	vadd.f32 v56, v5;
	v3 =	vadd.f32 v26, v3  }
0x140: {  	s15 =	sor.u32 s6, s7;
	v11 =	vld [tilespmem:s3+$0x0];
	v1 =	vadd.f32 v8, v1;
	v2 =	vadd.f32 v10, v2  }
0x141: {  	s16 =	sor.u32 s12, s4;
	v61 =	vld [tilespmem:s15+$0x0];
	v4 =	vadd.f32 v4, v5;
	v3 =	vadd.f32 $1.000000020e-16, v3  }
0x142: {  	s17 =	sor.u32 s12, s5;
	v8 =	vld [tilespmem:s16+$0x0];
	v1 =	vadd.f32 v57, v1  }
0x143: {  	s18 =	sor.u32 s12, s7;
	v10 =	vld [tilespmem:s17+$0x0];
	v2 =	vadd.f32 v6, v2;
	(erf) = vrcp.f32 v3;
	v3 =	vadd.f32 v7, v4  }
0x144: {  	s19 =	sor.u32 s11, s4;
	v1 =	vadd.f32 v58, v1;
	v5 =	vld [tilespmem:s18+$0x0]  }
0x145: {  	s20 =	sor.u32 s11, s5;
	v6 =	vld [tilespmem:s19+$0x0];
	v2 =	vadd.f32 v9, v2;
	v3 =	vadd.f32 v11, v3  }
0x146: {  	s21 =	sor.u32 s11, s7;
	v1 =	vadd.f32 v59, v1;
	v4 =	vld [tilespmem:s20+$0x0]  }
0x147: {  	s23 =	sor.u32 s10, s5;
	v2 =	vadd.f32 v60, v2;
	v7 =	vld [tilespmem:s21+$0x0];
	v62 =	vadd.f32 v61, v3  }
0x148: {  	s22 =	sor.u32 s10, s4;
	v8 =	vadd.f32 v8, v1;
	v11 =	vld [tilespmem:s23+$0x0]  }
0x149: {  	s26 =	sor.u32 s9, s5;
	v9 =	vld [tilespmem:s22+$0x0];
	v2 =	vadd.f32 v10, v2;
	v5 =	vadd.f32 v5, v62  }
0x14a: {  	s25 =	sor.u32 s9, s4;
	v1 =	vld [tilespmem:s26+$0x0]  }
0x14b: {  	s29 =	sor.u32 s9, s7;
	v6 =	vadd.f32 v6, v8;
	v3 =	vld [tilespmem:s25+$0x0];
	v8 =	vadd.f32 v4, v2  }
0x14c: {  	s30 =	sor.u32 s8, s4;
	v4 =	vld [tilespmem:s29+$0x0];
	v10 =	vadd.f32 v7, v5  }
0x14d: {  	s28 =	simm.s32 $0x13A20;
	s12 =	sor.u32 s8, s7;
	s31 =	sor.u32 s8, s5;
	v2 =	vld [tilespmem:s30+$0x0];
	v8 =	vadd.f32 v11, v8;
	v5 =	vpop (erf)  }
0x14e: {  	s5 =	simm.s32 $0x25C0;
	s7 =	simm.s32 $0x60;
	s21 =	simm.s32 $0x0;
	v7 =	vadd.f32 v9, v6;
	v6 =	vadd.f32 v63, v10;
	[tilespmem:s28+$0x10] =	vst v5;
	v5 =	vld [tilespmem:s31+$0x0]  }
.LBB2_8:
0x14f: {  	s0 =	sadd.s32 $0xFFFFDD00, s5;
	s1 =	sadd.s32 $0xFFFFDAB0, s5;
	s24 =	sadd.s32 $0xFFFFDF80, s5  }
0x150: {  	s2 =	sadd.s32 $0xFFFFDA90, s5;
	s6 =	sadd.s32 $0xFFFFDA80, s5;
	s11 =	sadd.s32 $0xFFFFDAA0, s5  }
0x151: {  	v9 =	vld [tilespmem:s7+$0xFFFFFFE0];
	s25 =	sadd.s32 $0xFFFFE200, s5;
	s30 =	sadd.s32 $0xFFFFE480, s5;
	s19 =	sadd.s32 $0xFFFFE700, s5  }
0x152: {  	v10 =	vld [tilespmem:s12+$0x0];
	s22 =	sadd.s32 $0xFFFFE980, s5;
	s0 =	sand.u32 $0x7F80, s0;
	s8 =	sand.u32 $0x70, s1  }
0x153: {  	s1 =	sand.u32 $0x7F80, s24;
	s9 =	sand.u32 $0x40, s6;
	s10 =	sand.u32 $0x50, s2;
	v3 =	vadd.f32 v3, v7;
	v7 =	vld [tilespmem:s7+$0xFFFFFFF0]  }
0x154: {  	s11 =	sand.u32 $0x60, s11;
	s31 =	sand.u32 $0x7F80, s30;
	s3 =	sor.u32 s0, s8;
	v1 =	vadd.f32 v1, v8;
	v8 =	vld [tilespmem:s7+$0x10]  }
0x155: {  	s16 =	sand.u32 $0x7F80, s19;
	s24 =	sadd.s32 $0xFFFFEC00, s5;
	s26 =	sor.u32 s1, s8;
	v4 =	vadd.f32 v4, v6;
	v6 =	vld [tilespmem:s3+$0x0];
	v2 =	vadd.f32 v2, v3  }
0x156: {  	s29 =	sor.u32 s0, s9;
	s14 =	sor.u32 s0, s10;
	s3 =	sand.u32 $0x7F80, s25;
	v3 =	vld [tilespmem:s7+$0x0];
	v1 =	vadd.f32 v5, v1  }
0x157: {  	s15 =	sor.u32 s0, s11;
	s4 =	sor.u32 s1, s9;
	s13 =	sor.u32 s3, s8;
	v5 =	vld [tilespmem:s26+$0x0];
	v2 =	vadd.f32 $1.000000020e-16, v2  }
0x158: {  	s20 =	sor.u32 s31, s8;
	s17 =	sor.u32 s1, s10;
	s0 =	sor.u32 s31, s9;
	v11 =	vld [tilespmem:s13+$0x0];
	v1 =	vadd.f32 $1.000000020e-16, v1  }
0x159: {  	s19 =	sor.u32 s31, s10;
	s12 =	sor.u32 s31, s11;
	s31 =	sor.u32 s16, s10;
	v4 =	vadd.f32 v10, v4;
	v10 =	vld [tilespmem:s15+$0x0];
	(erf) = vrcp.f32 v2  }
0x15a: {  	s18 =	sor.u32 s1, s11;
	s23 =	sor.u32 s16, s8;
	[dreg:$0x8] =	wrdreg s31;
	v6 =	vadd.f32 v6, v8;
	v2 =	vld [tilespmem:s29+$0x0];
	(erf) = vrcp.f32 v1  }
0x15b: {  	s6 =	sor.u32 s3, s9;
	s2 =	sor.u32 s3, s10;
	s1 =	sor.u32 s3, s11;
	v1 =	vld [tilespmem:s20+$0x0]  }
0x15c: {  	s3 =	sadd.s32 $0xFFFFF600, s5;
	s15 =	sand.u32 $0x7F80, s24;
	s26 =	sor.u32 s16, s9;
	v8 =	vld [tilespmem:s14+$0x0];
	v5 =	vadd.f32 v5, v6  }
0x15d: {  	[dreg:$0x6] =	wrdreg s26;
	s26 =	sor.u32 s15, s9;
	v4 =	vadd.f32 $1.000000020e-16, v4;
	s20 =	sand.u32 $0x7F80, s22;
	v6 =	vld [tilespmem:s23+$0x0]  }
0x15e: {  	s31 =	sor.u32 s15, s11;
	[dreg:$0xb] =	wrdreg s26;
	v3 =	vadd.f32 v10, v3;
	v10 =	vld [tilespmem:s18+$0x0];
	s25 =	sor.u32 s20, s8;
	v5 =	vadd.f32 v11, v5  }
0x15f: {  	s30 =	sor.u32 s15, s8;
	[dreg:$0xc] =	wrdreg s31;
	s29 =	sadd.s32 $0xFFFFEE80, s5;
	v2 =	vadd.f32 v2, v9;
	v9 =	vld [tilespmem:s25+$0x0]  }
0x160: {  	s13 =	sand.u32 $0x7F80, s29;
	s22 =	sadd.s32 $0xFFFFF100, s5;
	s29 =	sadd.s32 $0xFFFFF380, s5;
	(erf) = vrcp.f32 v4;
	v4 =	vld [tilespmem:s17+$0x0];
	v1 =	vadd.f32 v1, v5  }
0x161: {  	s23 =	sor.u32 s13, s8;
	s14 =	sand.u32 $0x7F80, s22;
	s24 =	sor.u32 s20, s10;
	v5 =	vadd.f32 v8, v7;
	v7 =	vld [tilespmem:s30+$0x0]  }
0x162: {  	s22 =	sor.u32 s13, s11;
	s17 =	sadd.s32 $0xFFFFF880, s5;
	v11 =	vld [tilespmem:s4+$0x0];
	s4 =	sor.u32 s16, s11;
	v1 =	vadd.f32 v6, v1;
	v6 =	vpop (erf)  }
0x163: {  	s16 =	sor.u32 s20, s9;
	[dreg:$0xa] =	wrdreg s24;
	v8 =	vld [tilespmem:s23+$0x0];
	s30 =	sor.u32 s14, s8;
	[tilespmem:s28+$0xFFFFFFE0] =	vst v6;
	v6 =	vpop (erf)  }
0x164: {  	s24 =	sor.u32 s15, s10;
	[dreg:$0x7] =	wrdreg s16;
	s16 =	sand.u32 $0x7F80, s29;
	v1 =	vadd.f32 v9, v1;
	[tilespmem:s28+$0xFFFFFFF0] =	vst v6;
	v6 =	vld [tilespmem:s30+$0x0]  }
0x165: {  	s31 =	sor.u32 s14, s10;
	[dreg:$0x5] =	wrdreg s4;
	s4 =	sor.u32 s16, s8;
	v9 =	vld [tilespmem:s6+$0x0]  }
0x166: {  	s26 =	sor.u32 s14, s11;
	s29 =	sadd.s32 $0xFFFFFB00, s5;
	s25 =	sor.u32 s20, s11;
	v4 =	vadd.f32 v4, v5;
	v5 =	vld [tilespmem:s4+$0x0];
	v1 =	vadd.f32 v7, v1  }
0x167: {  	s20 =	sor.u32 s13, s9;
	[dreg:$0x9] =	wrdreg s25;
	v3 =	vadd.f32 v10, v3;
	s6 =	sand.u32 $0x7F80, s3;
	v7 =	vld [tilespmem:s2+$0x0]  }
0x168: {  	s25 =	sor.u32 s13, s10;
	s13 =	sand.u32 $0x7F80, s17;
	v10 =	vld [tilespmem:s1+$0x0];
	v2 =	vadd.f32 v11, v2;
	s18 =	sor.u32 s6, s8;
	v1 =	vadd.f32 v8, v1  }
0x169: {  	s29 =	sand.u32 $0x7F80, s29;
	s23 =	sor.u32 s14, s9;
	s30 =	sor.u32 s13, s8;
	v8 =	vld [tilespmem:s18+$0x0]  }
0x16a: {  	s17 =	sor.u32 s29, s9;
	s14 =	sor.u32 s13, s10;
	s1 =	sor.u32 s13, s11;
	v1 =	vadd.f32 v6, v1;
	v6 =	vpop (erf);
	v2 =	vadd.f32 v9, v2;
	v9 =	vld [tilespmem:s30+$0x0]  }
0x16b: {  	s4 =	sor.u32 s29, s8;
	s3 =	sor.u32 s16, s10;
	s2 =	sadd.s32 $0xFFFFFD80, s5;
	[tilespmem:s28+$0x0] =	vst v6;
	v6 =	vld [tilespmem:s0+$0x0]  }
0x16c: {  	s15 =	sor.u32 s6, s11;
	s18 =	sor.u32 s16, s9;
	s16 =	sor.u32 s16, s11;
	v4 =	vadd.f32 v7, v4;
	v7 =	vld [tilespmem:s19+$0x0];
	v1 =	vadd.f32 v5, v1  }
0x16d: {  	s30 =	sor.u32 s6, s9;
	s0 =	sand.u32 $0x7F80, s2;
	s2 =	sor.u32 s6, s10;
	v5 =	vld [tilespmem:s4+$0x0]  }
0x16e: {  	v3 =	vadd.f32 v10, v3;
	s6 =	sor.u32 s13, s9;
	s19 =	sor.u32 s0, s8;
	s4 =	sand.u32 $0x7F80, s5;
	v10 =	vld [tilespmem:s12+$0x0];
	v1 =	vadd.f32 v8, v1  }
0x16f: {  	s13 =	sor.u32 s0, s10;
	s12 =	sor.u32 s4, s8;
	s8 =	sor.u32 s0, s9;
	v8 =	vld [tilespmem:s19+$0x0]  }
0x170: {  	s0 =	sor.u32 s0, s11;
	s19 =	sor.u32 s29, s10;
	v1 =	vadd.f32 v9, v1;
	v2 =	vadd.f32 v6, v2;
	v6 =	vld [tilespmem:s12+$0x0];
	s12 =	rddreg [dreg:$0x6]  }
0x171: {  	s29 =	sor.u32 s29, s11;
	v9 =	vld [tilespmem:s12+$0x0];
	s12 =	sor.u32 s4, s11;
	s11 =	rddreg [dreg:$0x8]  }
0x172: {  	v1 =	vadd.f32 v5, v1;
	v5 =	vld [tilespmem:s11+$0x0];
	s11 =	rddreg [dreg:$0x5]  }
0x173: {  	v4 =	vadd.f32 v7, v4;
	v7 =	vld [tilespmem:s11+$0x0];
	s11 =	rddreg [dreg:$0x7]  }
0x174: {  	v1 =	vadd.f32 v8, v1;
	v8 =	vld [tilespmem:s11+$0x0];
	s11 =	rddreg [dreg:$0xa]  }
0x175: {  	v3 =	vadd.f32 v10, v3;
	v10 =	vld [tilespmem:s11+$0x0];
	s11 =	rddreg [dreg:$0x9]  }
0x176: {  	v1 =	vadd.f32 v6, v1;
	v6 =	vld [tilespmem:s11+$0x0];
	s11 =	rddreg [dreg:$0xb]  }
0x177: {  	v2 =	vadd.f32 v9, v2;
	v9 =	vld [tilespmem:s11+$0x0]  }
0x178: {  	v4 =	vadd.f32 v5, v4;
	v5 =	vld [tilespmem:s24+$0x0];
	s24 =	rddreg [dreg:$0xc]  }
0x179: {  	v1 =	vadd.f32 $1.000000020e-16, v1;
	v3 =	vadd.f32 v7, v3;
	v7 =	vld [tilespmem:s24+$0x0]  }
0x17a: {  	v2 =	vadd.f32 v8, v2;
	v8 =	vld [tilespmem:s25+$0x0]  }
0x17b: {  	(erf) = vrcp.f32 v1;
	v1 =	vld [tilespmem:s20+$0x0]  }
0x17c: {  	v4 =	vadd.f32 v10, v4;
	v10 =	vld [tilespmem:s30+$0x0]  }
0x17d: {  	v3 =	vadd.f32 v6, v3;
	v6 =	vld [tilespmem:s22+$0x0]  }
0x17e: {  	v2 =	vadd.f32 v9, v2;
	v9 =	vld [tilespmem:s23+$0x0]  }
0x17f: {  	v4 =	vadd.f32 v5, v4;
	v5 =	vld [tilespmem:s31+$0x0]  }
0x180: {  	v3 =	vadd.f32 v7, v3;
	v7 =	vld [tilespmem:s18+$0x0]  }
0x181: {  	v4 =	vadd.f32 v8, v4;
	v8 =	vld [tilespmem:s3+$0x0];
	v1 =	vadd.f32 v1, v2  }
0x182: {  	v2 =	vld [tilespmem:s26+$0x0]  }
0x183: {  	v3 =	vadd.f32 v6, v3;
	v6 =	vld [tilespmem:s16+$0x0];
	v1 =	vadd.f32 v9, v1  }
0x184: {  	v4 =	vadd.f32 v5, v4;
	v5 =	vld [tilespmem:s2+$0x0]  }
0x185: {  	v1 =	vadd.f32 v7, v1;
	v7 =	vld [tilespmem:s6+$0x0]  }
0x186: {  	v4 =	vadd.f32 v8, v4;
	v8 =	vld [tilespmem:s14+$0x0]  }
0x187: {  	s28 =	sadd.s32 $0x40, s28;
	v9 =	vpop (erf);
	v2 =	vadd.f32 v2, v3;
	v3 =	vld [tilespmem:s15+$0x0]  }
0x188: {  	[tilespmem:s28+$0x10] =	vst v9;
	v9 =	vld [tilespmem:s17+$0x0]  }
0x189: {  	v2 =	vadd.f32 v6, v2;
	v6 =	vld [tilespmem:s1+$0x0]  }
0x18a: {  	s21 =	sadd.s32 $0x4, s21;
	v1 =	vadd.f32 v10, v1;
	v10 =	vld [tilespmem:s29+$0x0]  }
0x18b: {  	p0 =	slt.u32 s21, $0x24;
	v4 =	vadd.f32 v5, v4;
	v5 =	vld [tilespmem:s19+$0x0]  }
.Ltmp3:
0x18c: {  	v7 =	vadd.f32 v7, v1;
	v1 =	vld [tilespmem:s13+$0x0];
	v2 =	vadd.f32 v3, v2;
	(pc) =	sbr.rel @p0 .LBB2_8-.Ltmp3, $4  }
0x18d: {  	v8 =	vadd.f32 v8, v4;
	v4 =	vld [tilespmem:s0+$0x0]  }
0x18e: {  	s9 =	sor.u32 s4, s9;
	v3 =	vld [tilespmem:s8+$0x0];
	v6 =	vadd.f32 v6, v2  }
0x18f: {  	s10 =	sor.u32 s4, s10;
	v7 =	vadd.f32 v9, v7;
	v2 =	vld [tilespmem:s9+$0x0]  }
0x190: {  	s7 =	sadd.s32 $0x40, s7;
	s5 =	sadd.s32 $0x40, s5;
	v8 =	vadd.f32 v5, v8;
	v5 =	vld [tilespmem:s10+$0x0];
	v6 =	vadd.f32 v10, v6  }
0x191: {  	_ = 	snop  }
0x192: {  	v9 =	vld [tilespmem:s12+$0x0]  }
0x193: {  	v3 =	vadd.f32 v3, v7  }
0x194: {  	v1 =	vadd.f32 v1, v8  }
0x195: {  	v4 =	vadd.f32 v4, v6;
	v2 =	vadd.f32 v2, v3  }
0x196: {  	v1 =	vadd.f32 v5, v1  }
0x197: {  	v3 =	vadd.f32 v9, v4;
	v2 =	vadd.f32 $1.000000020e-16, v2  }
0x198: {  	v1 =	vadd.f32 $1.000000020e-16, v1  }
0x199: {  	(erf) = vrcp.f32 v2;
	v2 =	vadd.f32 $1.000000020e-16, v3  }
0x19a: {  	(erf) = vrcp.f32 v1  }
0x19b: {  	(erf) = vrcp.f32 v2;
	_ =	sdelay $0x6  }
0x19c: {  	v1 =	vpop (erf)  }
0x19d: {  	[tilespmem:s28+$0xFFFFFFE0] =	vst v1;
	v1 =	vpop (erf)  }
0x19e: {  	[tilespmem:s28+$0xFFFFFFF0] =	vst v1;
	v1 =	vpop (erf)  }
0x19f: {  	[tilespmem:s28+$0x0] =	vst v1  }
0x1a0: {  	s0 =	sld [smem:$0x7FB];
	_ =	sdelay $0x1  }
0x1a1: {  	s3 =	simm.s32 $0x13A00;
	s6 =	simm.s32 $0x4  }
0x1a2: {  	[spmem:s0] =	stream.linear.scatter [tilespmem:s3], [sflag:$0x4], $0x280, $0x38;
	[tilespmem:$0x18C80] =	vst v63  }
0x1a3: {  	_ =	swait.ge [sflag:s6], $0x280  }
0x1a4: {  	[sflag:s6] =	ssyncset.done $0x0  }
0x1a5: {  	[sflag:s6] =	ssyncadd.s32 $0xFFFFFD80  }
0x1a6: {  	[bflag:$0x0] =	sbarrier.arrive $0xFFFF  }
0x1a7: {  	s30 =	rddreg [dreg:$0x3]  }
0x1a8: {  	[tilespmem:s3], [sflag:$0x4] =	stream.linear.gather [spmem:s30], $0x2800, $0x38;
	[tilespmem:$0x18C80] =	vst v63  }
0x1a9: {  	_ =	swait.ge [sflag:s6], $0x2800  }
0x1aa: {  	[sflag:s6] =	ssyncset.done $0x0  }
0x1ab: {  	s31 =	simm.s32 $0x4EC0;
	[sflag:s6] =	ssyncadd.s32 $0xFFFFD800  }
0x1ac: {  	v1 =	vld [tilespmem:s31+$0x30]  }
0x1ad: {  	v2 =	vld [tilespmem:s31+$0xFFFFFFD0]  }
0x1ae: {  	v3 =	vld [tilespmem:s31+$0xFFFFFFE0]  }
0x1af: {  	v4 =	vld [tilespmem:s31+$0xFFFFFFF0]  }
0x1b0: {  	v6 =	vld [tilespmem:s31+$0x0]  }
0x1b1: {  	v7 =	vld [tilespmem:s31+$0x10]  }
0x1b2: {  	v8 =	vld [tilespmem:s31+$0x20]  }
0x1b3: {  	s4 =	simm.s32 $0xEBC0;
	v9 =	vld [tilespmem:s31+$0xFFFFFFC0]  }
0x1b4: {  	v12 =	vld [tilespmem:s4+$0x30]  }
0x1b5: {  	v15 =	vld [tilespmem:s4+$0xFFFFFFD0]  }
0x1b6: {  	v10 =	vld [tilespmem:s4+$0xFFFFFFE0]  }
0x1b7: {  	v11 =	vld.idx.msk [tilespmem:v1+s3+$0x0], $0xffff  }
0x1b8: {  	v13 =	vld.idx.msk [tilespmem:v2+s3+$0x0], $0xffff  }
0x1b9: {  	v5 =	vld.idx.msk [tilespmem:v3+s3+$0x0], $0xffff  }
0x1ba: {  	v4 =	vld.idx.msk [tilespmem:v4+s3+$0x0], $0xffff  }
0x1bb: {  	v14 =	vld.idx.msk [tilespmem:v9+s3+$0x0], $0xffff  }
0x1bc: {  	v2 =	vld.idx.msk [tilespmem:v8+s3+$0x0], $0xffff  }
0x1bd: {  	v8 =	vld [tilespmem:s4+$0xFFFFFFC0]  }
0x1be: {  	v3 =	vld.idx.msk [tilespmem:v6+s3+$0x0], $0xffff  }
0x1bf: {  	v1 =	vld.idx.msk [tilespmem:v7+s3+$0x0], $0xffff  }
0x1c0: {  	v9 =	vld [tilespmem:s4+$0xFFFFFFF0]  }
0x1c1: {  	v7 =	vld [tilespmem:s4+$0x0];
	v11 =	vmul.f32 v12, v11  }
0x1c2: {  	v6 =	vld [tilespmem:s4+$0x10];
	v12 =	vmul.f32 v8, v14  }
0x1c3: {  	s1 =	simm.s32 $0x4F40;
	s0 =	simm.s32 $0x0;
	v8 =	vld [tilespmem:s4+$0x20];
	[tilespmem:s4+$0x30] =	vst v11;
	v11 =	vmul.f32 v15, v13  }
.LBB2_10:
0x1c4: {  	v13 =	vld [tilespmem:s1+$0x30];
	s0 =	sadd.s32 $0x8, s0;
	[tilespmem:s4+$0xFFFFFFC0] =	vst v12;
	v5 =	vmul.f32 v10, v5  }
0x1c5: {  	v10 =	vld [tilespmem:s1+$0xFFFFFFD0];
	p0 =	slt.u32 s0, $0x4D8;
	[tilespmem:s4+$0xFFFFFFD0] =	vst v11;
	v4 =	vmul.f32 v9, v4  }
0x1c6: {  	v9 =	vld [tilespmem:s1+$0xFFFFFFE0];
	[tilespmem:s4+$0xFFFFFFE0] =	vst v5;
	v3 =	vmul.f32 v7, v3  }
0x1c7: {  	v7 =	vld [tilespmem:s1+$0xFFFFFFF0];
	[tilespmem:s4+$0xFFFFFFF0] =	vst v4;
	v1 =	vmul.f32 v6, v1  }
0x1c8: {  	v6 =	vld [tilespmem:s1+$0x0];
	[tilespmem:s4+$0x0] =	vst v3;
	v2 =	vmul.f32 v8, v2  }
0x1c9: {  	v8 =	vld [tilespmem:s1+$0x10];
	[tilespmem:s4+$0x10] =	vst v1  }
0x1ca: {  	v11 =	vld [tilespmem:s1+$0x20];
	[tilespmem:s4+$0x20] =	vst v2  }
0x1cb: {  	v2 =	vld [tilespmem:s1+$0xFFFFFFC0]  }
0x1cc: {  	s4 =	sadd.s32 $0x80, s4;
	v12 =	vld.idx.msk [tilespmem:v13+s3+$0x0], $0xffff  }
0x1cd: {  	v13 =	vld [tilespmem:s4+$0x30]  }
0x1ce: {  	v14 =	vld.idx.msk [tilespmem:v10+s3+$0x0], $0xffff  }
0x1cf: {  	v5 =	vld.idx.msk [tilespmem:v9+s3+$0x0], $0xffff  }
0x1d0: {  	v4 =	vld.idx.msk [tilespmem:v7+s3+$0x0], $0xffff  }
0x1d1: {  	v3 =	vld.idx.msk [tilespmem:v6+s3+$0x0], $0xffff  }
0x1d2: {  	v1 =	vld.idx.msk [tilespmem:v8+s3+$0x0], $0xffff;
	v6 =	vmul.f32 v13, v12  }
0x1d3: {  	v8 =	vld.idx.msk [tilespmem:v2+s3+$0x0], $0xffff  }
0x1d4: {  	s2 =	simm.s32 $0x0;
	v2 =	vld.idx.msk [tilespmem:v11+s3+$0x0], $0xffff;
	[tilespmem:s4+$0x30] =	vst v6  }
0x1d5: {  	v6 =	vld [tilespmem:s4+$0xFFFFFFC0]  }
0x1d6: {  	v11 =	vld [tilespmem:s4+$0xFFFFFFD0]  }
.Ltmp4:
0x1d7: {  	v10 =	vld [tilespmem:s4+$0xFFFFFFE0];
	(pc) =	sbr.rel @p0 .LBB2_10-.Ltmp4, $4  }
0x1d8: {  	v9 =	vld [tilespmem:s4+$0xFFFFFFF0]  }
0x1d9: {  	v7 =	vld [tilespmem:s4+$0x0]  }
0x1da: {  	v12 =	vmul.f32 v6, v8;
	v6 =	vld [tilespmem:s4+$0x10]  }
0x1db: {  	s1 =	sadd.s32 $0x80, s1;
	v11 =	vmul.f32 v11, v14;
	v8 =	vld [tilespmem:s4+$0x20]  }
0x1dc: {  	[tilespmem:s4+$0xFFFFFFC0] =	vst v12;
	v5 =	vmul.f32 v10, v5  }
0x1dd: {  	[tilespmem:s4+$0xFFFFFFD0] =	vst v11;
	v4 =	vmul.f32 v9, v4  }
0x1de: {  	[tilespmem:s4+$0xFFFFFFE0] =	vst v5;
	v3 =	vmul.f32 v7, v3  }
0x1df: {  	[tilespmem:s4+$0xFFFFFFF0] =	vst v4;
	v1 =	vmul.f32 v6, v1  }
0x1e0: {  	[tilespmem:s4+$0x0] =	vst v3;
	v2 =	vmul.f32 v8, v2  }
0x1e1: {  	[tilespmem:s4+$0x10] =	vst v1  }
0x1e2: {  	s12 =	simm.s32 $0x0;
	[tilespmem:s4+$0x20] =	vst v2  }
.LBB2_12:
0x1e3: {  	s0 =	sshra.s32 s2, $0x2  }
0x1e4: {  	v1 =	vld [tilespmem:s0+$0x9C80];
	_ =	sdelay $0x6  }
0x1e5: {  	v2 =	vld [tilespmem:s0+$0x13980]  }
0x1e6: {  	v1 =	vld.idx.msk [tilespmem:v1+s3+$0x0], $0xffff;
	_ =	sdelay $0x1  }
0x1e7: {  	p0 =	sne.s32 s2, $0x40  }
.Ltmp5:
0x1e8: {  	_ = 	snop;
	(pc) =	sbr.rel @p0 .LBB2_12-.Ltmp5, $3  }
0x1e9: {  	_ = 	snop  }
0x1ea: {  	v1 =	vmul.f32 v2, v1;
	_ =	sdelay $0x1  }
0x1eb: {  	s2 =	sadd.s32 $0x40, s2;
	[tilespmem:s0+$0x13980] =	vst v1  }
0x1ec: {  	s0 =	rddreg [dreg:$0x1f];
	s1 =	simm.s32 $0xEB80  }
0x1ed: {  	[hbm4b:s0+s12] =	stream.linear.scatter [tilespmem:s1], [sflag:$0x4], $0x4E20, $0x38;
	[tilespmem:$0x18C80] =	vst v63  }
0x1ee: {  	_ =	swait.ge [sflag:s6], $0x4E20  }
0x1ef: {  	s30 =	sld [smem:$0x7F9]  }
0x1f0: {  	s31 =	sld [smem:$0x7FC];
	_ =	sdelay $0x1  }
0x1f1: {  	s1 =	sadd.s32 $0x1, s30  }
0x1f2: {  	p0 =	sne.s32 s1, s31  }
.Ltmp6:
0x1f3: {  	_ = 	snop;
	(pc) =	sbr.rel @p0 .LBB2_1-.Ltmp6, $3  }
0x1f4: {  	_ =	sdelay $0x1  }
0x1f5: {  	[sflag:s6] =	ssyncset.done $0x0  }
0x1f6: {  	s2 =	simm.s32 $0x1;
	[sflag:s6] =	ssyncadd.s32 $0xFFFFB1E0  }
0x1f7: {  	_ =	sfence.sel $0x180000  }
0x1f8: {  	[bflag:$0x0] =	sbarrier.arrive $0xFFFF  }
0x1f9: {  	_ =	strace $0x90000047  }
0x1fa: {  	s0 =	stileid.u32;
	[bflag:$0x2] =	sbarrier.arrive $0xFFFF  }
0x1fb: {  	p0 =	sne.s32 s0, $0x0;
	s0 =	rddreg [dreg:$0x4]  }
0x1fc: {  	s0 =	sadd.s32 @!p0 $0x100000, s0  }
0x1fd: {  	[sflag:s0] =	ssyncadd.tile.s32 @!p0 $0x1;
	_ =	shalt  }
.Lfunc_end2:
_tile_overlayer_lowered:
.L_overlay_start_2:
0x1fe: {  	(tag) =	ssettag $0x2  }
0x1ff: {  	s0 =	rddreg [dreg:$0x0];
	s2 =	stileid.u32  }
0x200: {  	s1 =	rddreg [dreg:$0x1];
	p0 =	sne.s32 s2, $0x0  }
0x201: {  	s3 =	rddreg [dreg:$0x2];
	[bflag:$0x3] =	sbarrier.arrive $0xFFFF;
	s2 =	simm.s32 @!p0 $0x1C04  }
0x202: {  	[timem:s3], [sflag:s2] =	dma.local @!p0 [hbm:s0], s1  }
0x203: {  	s0 =	simm.s32 @!p0 $0x4  }
0x204: {  	_ =	swait.ge @!p0 [sflag:s0], s1  }
0x205: {  	s1 =	ssub.s32 @!p0 $0x0, s1;
	[sflag:s0] =	ssyncset.done @!p0 $0x0  }
0x206: {  	[sflag:s0] =	ssyncadd.s32 @!p0 s1  }
0x207: {  	[bflag:$0x3] =	sbarrier.arrive $0xFFFF  }
0x208: {  	_ =	shalt  }

</sc_bundles>
